<compile_context>
chip_gen: v7x
topology: tpu7x:2x2x1
jax: 0.10.2.dev20260603
libtpu: 0.0.44.dev20260713+nightly
codegen_flags: <defaults>
</compile_context>

<pallas_src>
import functools

import jax
import jax.numpy as jnp
from jax import lax
from jax.experimental import pallas as pl
from jax.experimental.pallas import tpu as pltpu
from jax.experimental.pallas import tpu_sc as plsc

_BATCH = 16384
_DIM = 128

_INFO = plsc.get_sparse_core_info()
_NC = _INFO.num_cores
_NS = _INFO.num_subcores
_NW = _NC * _NS
_BPW = _BATCH // _NW
_CHUNKS = (8, 24, 48, 96, 128, 128, 56, 24)
_OFFS = tuple(sum(_CHUNKS[:j]) for j in range(len(_CHUNKS)))
_NCHUNK = len(_CHUNKS)

_MESH = plsc.VectorSubcoreMesh(core_axis_name="c", subcore_axis_name="s")


@functools.partial(
    pl.kernel,
    mesh=_MESH,
    out_type=jax.ShapeDtypeStruct((_BATCH, _DIM), jnp.float32),
    scratch_types=[
        pltpu.VMEM((_BPW,), jnp.int32),
        pltpu.VMEM((_BPW, _DIM), jnp.float32),
        pltpu.VMEM_SHARED((1000, _DIM), jnp.float32),
        pltpu.SemaphoreType.DMA((_NCHUNK,)),
        pltpu.SemaphoreType.DMA,
        pltpu.SemaphoreType.DMA,
    ],
)
def _gather_rows(idx_hbm, table_hbm, out_hbm, idx_v, rows_v, table_sh, gsems, osem, isem):
    sid = lax.axis_index("s")
    wid = sid * _NC + lax.axis_index("c")
    base = wid * _BPW
    icopy = pltpu.async_copy(idx_hbm.at[pl.ds(base, _BPW)], idx_v, isem)

    @pl.when(sid == 0)
    def _stage():
        pltpu.sync_copy(table_hbm, table_sh)

    icopy.wait()
    plsc.subcore_barrier()
    gathers = [
        pltpu.async_copy(
            table_sh.at[idx_v.at[pl.ds(_OFFS[j], _CHUNKS[j])]],
            rows_v.at[pl.ds(_OFFS[j], _CHUNKS[j])],
            gsems.at[j],
        )
        for j in range(_NCHUNK)
    ]
    outs = []
    for j in range(_NCHUNK):
        gathers[j].wait()
        outs.append(
            pltpu.async_copy(
                rows_v.at[pl.ds(_OFFS[j], _CHUNKS[j])],
                out_hbm.at[pl.ds(base + _OFFS[j], _CHUNKS[j])],
                osem,
            )
        )
    for o in outs:
        o.wait()


def kernel(noise_levels, table):
    idx = noise_levels.astype(jnp.int32)
    return _gather_rows(idx, table)

# --- scband reference (transcript-rebuilt; emitter-appended) ---
"""Pipeline reference for scband-noise-augmentation-embedding-23819888623872 (READ-ONLY COPY).

The authoritative reference and input builder live on the scoring server;
editing this copy changes nothing except your own understanding.
"""

import jax, jax.numpy as jnp
import numpy as np

NUM_BUCKETS = 1000
EMBED_DIM = 128
BATCH = 16384

def setup_inputs(seed: int = 0) -> dict:
    key = jax.random.key(seed)
    k1, k2 = jax.random.split(key)
    noise_levels = jax.random.randint(k1, (BATCH,), 0, NUM_BUCKETS, dtype=jnp.int64 if jax.config.jax_enable_x64 else jnp.int32)
    table = jax.random.normal(k2, (NUM_BUCKETS, EMBED_DIM), dtype=jnp.float32)
    return {"noise_levels": noise_levels, "table": table}

def reference(noise_levels, table):
    # nn.Embedding lookup: gather rows of the table by index
    return jnp.take(table, noise_levels, axis=0)

if __name__ == "__main__":
    import jax
    _d = setup_inputs()
    print(jax.jit(kernel)(*tuple(_d.values())))

</pallas_src>

<mosaic_0001>
#map = affine_map<(d0, d1) -> (0)>
#map1 = affine_map<(d0, d1) -> (0, 0)>
module attributes {stable_mosaic.version = 14 : i64} {
  func.func @_gather_rows(%arg0: i32, %arg1: i32, %arg2: memref<16384xi32, #tpu.memory_space<hbm>>, %arg3: memref<1000x128xf32, #tpu.memory_space<hbm>>, %arg4: memref<16384x128xf32, #tpu.memory_space<hbm>>, %arg5: memref<512xi32, #tpu.memory_space<vmem>>, %arg6: memref<512x128xf32, #tpu.memory_space<vmem>>, %arg7: memref<1000x128xf32, #tpu.memory_space<vmem_shared>>, %arg8: memref<8x!tpu.dma_semaphore, #tpu.memory_space<semaphore_mem>>, %arg9: memref<!tpu.dma_semaphore, #tpu.memory_space<semaphore_mem>>, %arg10: memref<!tpu.dma_semaphore, #tpu.memory_space<semaphore_mem>>) attributes {dimension_semantics = [#tpu.dimension_semantics<core_parallel>, #tpu.dimension_semantics<subcore_parallel>], iteration_bounds = array<i64: 2, 16>, scalar_prefetch = 0 : i64, scratch_operands = 6 : i64, tpu.core_type = #tpu.core_type<sc_vector_subcore>, window_params = [{transform_indices = #map}, {transform_indices = #map1}, {transform_indices = #map1}]} {
    %mul3A = arith.constant 2 : i32
    %mul3A_0 = arith.muli %arg1, %mul3A : i32
    %add3A = arith.addi %mul3A_0, %arg0 : i32
    %mul3A_1 = arith.constant 512 : i32
    %mul3A_2 = arith.muli %add3A, %mul3A_1 : i32
    %dma_start3A = tpu.memref_slice %arg2[%mul3A_2] : memref<16384xi32, #tpu.memory_space<hbm>> -> memref<512xi32, #tpu.memory_space<hbm>>
    %dma_start3A_3 = tpu.memref_slice %arg2[%mul3A_2] : memref<16384xi32, #tpu.memory_space<hbm>> -> memref<512xi32, #tpu.memory_space<hbm>>
    tpu.enqueue_dma source(%dma_start3A_3 : memref<512xi32, #tpu.memory_space<hbm>>) target(%arg5 : memref<512xi32, #tpu.memory_space<vmem>>) target_semaphore(%arg10 : memref<!tpu.dma_semaphore, #tpu.memory_space<semaphore_mem>>)
    %eq3A = arith.constant 0 : i32
    %eq3A_4 = arith.cmpi eq, %arg1, %eq3A : i32
    %convert_element_type3A = arith.extui %eq3A_4 : i1 to i32
    %cond3A = arith.constant 0 : i32
    %cond3A_5 = arith.cmpi ne, %convert_element_type3A, %cond3A : i32
    scf.if %cond3A_5 {
      "tpu.region"() ({
        %run_scoped3A = tpu.sem_alloc : memref<!tpu.dma_semaphore, #tpu.memory_space<semaphore_mem>>
        tpu.enqueue_dma source(%arg3 : memref<1000x128xf32, #tpu.memory_space<hbm>>) target(%arg7 : memref<1000x128xf32, #tpu.memory_space<vmem_shared>>) target_semaphore(%run_scoped3A : memref<!tpu.dma_semaphore, #tpu.memory_space<semaphore_mem>>)
        tpu.wait_dma2 semaphore(%run_scoped3A : memref<!tpu.dma_semaphore, #tpu.memory_space<semaphore_mem>>) src(%arg3 : memref<1000x128xf32, #tpu.memory_space<hbm>>) dst(%arg7 : memref<1000x128xf32, #tpu.memory_space<vmem_shared>>)
        tpu.yield
      }) : () -> ()
    } else {
    }
    %dma_wait3A = tpu.memref_slice %arg2[%mul3A_2] : memref<16384xi32, #tpu.memory_space<hbm>> -> memref<512xi32, #tpu.memory_space<hbm>>
    %dma_wait3A_6 = tpu.memref_slice %arg2[%mul3A_2] : memref<16384xi32, #tpu.memory_space<hbm>> -> memref<512xi32, #tpu.memory_space<hbm>>
    tpu.wait_dma2 semaphore(%arg10 : memref<!tpu.dma_semaphore, #tpu.memory_space<semaphore_mem>>) src(%dma_wait3A_6 : memref<512xi32, #tpu.memory_space<hbm>>) dst(%arg5 : memref<512xi32, #tpu.memory_space<vmem>>)
    %barrier3A = arith.constant 0 : index
    tpu.barrier barrier_id(%barrier3A)
    %dma_start3A_7 = arith.constant 0 : i32
    %dma_start3A_8 = arith.constant 0 : i32
    %dma_start3A_9 = arith.constant 0 : i32
    %dma_start3A_10 = tpu.memref_slice %arg6[%dma_start3A_8, %dma_start3A_9] : memref<512x128xf32, #tpu.memory_space<vmem>> -> memref<8x128xf32, #tpu.memory_space<vmem>>
    %dma_start3A_11 = arith.constant 0 : i32
    %dma_start3A_12 = tpu.memref_slice %arg5[%dma_start3A_11] : memref<512xi32, #tpu.memory_space<vmem>> -> memref<8xi32, #tpu.memory_space<vmem>>
    %dma_start3A_13 = arith.constant 0 : i32
    %dma_start3A_14 = arith.constant 0 : i32
    %dma_start3A_15 = tpu.memref_slice %arg7[%dma_start3A_13, %dma_start3A_14] : memref<1000x128xf32, #tpu.memory_space<vmem_shared>> -> memref<1000x128xf32, #tpu.memory_space<vmem_shared>>
    %dma_start3A_16 = tpu.memref_slice %arg8[%dma_start3A_7] : memref<8x!tpu.dma_semaphore, #tpu.memory_space<semaphore_mem>> -> memref<1x!tpu.dma_semaphore, #tpu.memory_space<semaphore_mem>>
    %dma_start3A_17 = tpu.memref_squeeze %dma_start3A_16 : memref<1x!tpu.dma_semaphore, #tpu.memory_space<semaphore_mem>> -> memref<!tpu.dma_semaphore, #tpu.memory_space<semaphore_mem>>
    tpu.enqueue_indirect_dma source(%dma_start3A_15 : memref<1000x128xf32, #tpu.memory_space<vmem_shared>>) target(%dma_start3A_10 : memref<8x128xf32, #tpu.memory_space<vmem>>) offsets(%dma_start3A_12 : memref<8xi32, #tpu.memory_space<vmem>>) semaphore(%dma_start3A_17 : memref<!tpu.dma_semaphore, #tpu.memory_space<semaphore_mem>>)
    %dma_start3A_18 = arith.constant 1 : i32
    %dma_start3A_19 = arith.constant 8 : i32
    %dma_start3A_20 = arith.constant 0 : i32
    %dma_start3A_21 = tpu.memref_slice %arg6[%dma_start3A_19, %dma_start3A_20] : memref<512x128xf32, #tpu.memory_space<vmem>> -> memref<24x128xf32, #tpu.memory_space<vmem>>
    %dma_start3A_22 = arith.constant 8 : i32
    %dma_start3A_23 = tpu.memref_slice %arg5[%dma_start3A_22] : memref<512xi32, #tpu.memory_space<vmem>> -> memref<24xi32, #tpu.memory_space<vmem>>
    %dma_start3A_24 = arith.constant 0 : i32
    %dma_start3A_25 = arith.constant 0 : i32
    %dma_start3A_26 = tpu.memref_slice %arg7[%dma_start3A_24, %dma_start3A_25] : memref<1000x128xf32, #tpu.memory_space<vmem_shared>> -> memref<1000x128xf32, #tpu.memory_space<vmem_shared>>
    %dma_start3A_27 = tpu.memref_slice %arg8[%dma_start3A_18] : memref<8x!tpu.dma_semaphore, #tpu.memory_space<semaphore_mem>> -> memref<1x!tpu.dma_semaphore, #tpu.memory_space<semaphore_mem>>
    %dma_start3A_28 = tpu.memref_squeeze %dma_start3A_27 : memref<1x!tpu.dma_semaphore, #tpu.memory_space<semaphore_mem>> -> memref<!tpu.dma_semaphore, #tpu.memory_space<semaphore_mem>>
    tpu.enqueue_indirect_dma source(%dma_start3A_26 : memref<1000x128xf32, #tpu.memory_space<vmem_shared>>) target(%dma_start3A_21 : memref<24x128xf32, #tpu.memory_space<vmem>>) offsets(%dma_start3A_23 : memref<24xi32, #tpu.memory_space<vmem>>) semaphore(%dma_start3A_28 : memref<!tpu.dma_semaphore, #tpu.memory_space<semaphore_mem>>)
    %dma_start3A_29 = arith.constant 2 : i32
    %dma_start3A_30 = arith.constant 32 : i32
    %dma_start3A_31 = arith.constant 0 : i32
    %dma_start3A_32 = tpu.memref_slice %arg6[%dma_start3A_30, %dma_start3A_31] : memref<512x128xf32, #tpu.memory_space<vmem>> -> memref<48x128xf32, #tpu.memory_space<vmem>>
    %dma_start3A_33 = arith.constant 32 : i32
    %dma_start3A_34 = tpu.memref_slice %arg5[%dma_start3A_33] : memref<512xi32, #tpu.memory_space<vmem>> -> memref<48xi32, #tpu.memory_space<vmem>>
    %dma_start3A_35 = arith.constant 0 : i32
    %dma_start3A_36 = arith.constant 0 : i32
    %dma_start3A_37 = tpu.memref_slice %arg7[%dma_start3A_35, %dma_start3A_36] : memref<1000x128xf32, #tpu.memory_space<vmem_shared>> -> memref<1000x128xf32, #tpu.memory_space<vmem_shared>>
    %dma_start3A_38 = tpu.memref_slice %arg8[%dma_start3A_29] : memref<8x!tpu.dma_semaphore, #tpu.memory_space<semaphore_mem>> -> memref<1x!tpu.dma_semaphore, #tpu.memory_space<semaphore_mem>>
    %dma_start3A_39 = tpu.memref_squeeze %dma_start3A_38 : memref<1x!tpu.dma_semaphore, #tpu.memory_space<semaphore_mem>> -> memref<!tpu.dma_semaphore, #tpu.memory_space<semaphore_mem>>
    tpu.enqueue_indirect_dma source(%dma_start3A_37 : memref<1000x128xf32, #tpu.memory_space<vmem_shared>>) target(%dma_start3A_32 : memref<48x128xf32, #tpu.memory_space<vmem>>) offsets(%dma_start3A_34 : memref<48xi32, #tpu.memory_space<vmem>>) semaphore(%dma_start3A_39 : memref<!tpu.dma_semaphore, #tpu.memory_space<semaphore_mem>>)
    %dma_start3A_40 = arith.constant 3 : i32
    %dma_start3A_41 = arith.constant 80 : i32
    %dma_start3A_42 = arith.constant 0 : i32
    %dma_start3A_43 = tpu.memref_slice %arg6[%dma_start3A_41, %dma_start3A_42] : memref<512x128xf32, #tpu.memory_space<vmem>> -> memref<96x128xf32, #tpu.memory_space<vmem>>
    %dma_start3A_44 = arith.constant 80 : i32
    %dma_start3A_45 = tpu.memref_slice %arg5[%dma_start3A_44] : memref<512xi32, #tpu.memory_space<vmem>> -> memref<96xi32, #tpu.memory_space<vmem>>
    %dma_start3A_46 = arith.constant 0 : i32
    %dma_start3A_47 = arith.constant 0 : i32
    %dma_start3A_48 = tpu.memref_slice %arg7[%dma_start3A_46, %dma_start3A_47] : memref<1000x128xf32, #tpu.memory_space<vmem_shared>> -> memref<1000x128xf32, #tpu.memory_space<vmem_shared>>
    %dma_start3A_49 = tpu.memref_slice %arg8[%dma_start3A_40] : memref<8x!tpu.dma_semaphore, #tpu.memory_space<semaphore_mem>> -> memref<1x!tpu.dma_semaphore, #tpu.memory_space<semaphore_mem>>
    %dma_start3A_50 = tpu.memref_squeeze %dma_start3A_49 : memref<1x!tpu.dma_semaphore, #tpu.memory_space<semaphore_mem>> -> memref<!tpu.dma_semaphore, #tpu.memory_space<semaphore_mem>>
    tpu.enqueue_indirect_dma source(%dma_start3A_48 : memref<1000x128xf32, #tpu.memory_space<vmem_shared>>) target(%dma_start3A_43 : memref<96x128xf32, #tpu.memory_space<vmem>>) offsets(%dma_start3A_45 : memref<96xi32, #tpu.memory_space<vmem>>) semaphore(%dma_start3A_50 : memref<!tpu.dma_semaphore, #tpu.memory_space<semaphore_mem>>)
    %dma_start3A_51 = arith.constant 4 : i32
    %dma_start3A_52 = arith.constant 176 : i32
    %dma_start3A_53 = arith.constant 0 : i32
    %dma_start3A_54 = tpu.memref_slice %arg6[%dma_start3A_52, %dma_start3A_53] : memref<512x128xf32, #tpu.memory_space<vmem>> -> memref<128x128xf32, #tpu.memory_space<vmem>>
    %dma_start3A_55 = arith.constant 176 : i32
    %dma_start3A_56 = tpu.memref_slice %arg5[%dma_start3A_55] : memref<512xi32, #tpu.memory_space<vmem>> -> memref<128xi32, #tpu.memory_space<vmem>>
    %dma_start3A_57 = arith.constant 0 : i32
    %dma_start3A_58 = arith.constant 0 : i32
    %dma_start3A_59 = tpu.memref_slice %arg7[%dma_start3A_57, %dma_start3A_58] : memref<1000x128xf32, #tpu.memory_space<vmem_shared>> -> memref<1000x128xf32, #tpu.memory_space<vmem_shared>>
    %dma_start3A_60 = tpu.memref_slice %arg8[%dma_start3A_51] : memref<8x!tpu.dma_semaphore, #tpu.memory_space<semaphore_mem>> -> memref<1x!tpu.dma_semaphore, #tpu.memory_space<semaphore_mem>>
    %dma_start3A_61 = tpu.memref_squeeze %dma_start3A_60 : memref<1x!tpu.dma_semaphore, #tpu.memory_space<semaphore_mem>> -> memref<!tpu.dma_semaphore, #tpu.memory_space<semaphore_mem>>
    tpu.enqueue_indirect_dma source(%dma_start3A_59 : memref<1000x128xf32, #tpu.memory_space<vmem_shared>>) target(%dma_start3A_54 : memref<128x128xf32, #tpu.memory_space<vmem>>) offsets(%dma_start3A_56 : memref<128xi32, #tpu.memory_space<vmem>>) semaphore(%dma_start3A_61 : memref<!tpu.dma_semaphore, #tpu.memory_space<semaphore_mem>>)
    %dma_start3A_62 = arith.constant 5 : i32
    %dma_start3A_63 = arith.constant 304 : i32
    %dma_start3A_64 = arith.constant 0 : i32
    %dma_start3A_65 = tpu.memref_slice %arg6[%dma_start3A_63, %dma_start3A_64] : memref<512x128xf32, #tpu.memory_space<vmem>> -> memref<128x128xf32, #tpu.memory_space<vmem>>
    %dma_start3A_66 = arith.constant 304 : i32
    %dma_start3A_67 = tpu.memref_slice %arg5[%dma_start3A_66] : memref<512xi32, #tpu.memory_space<vmem>> -> memref<128xi32, #tpu.memory_space<vmem>>
    %dma_start3A_68 = arith.constant 0 : i32
    %dma_start3A_69 = arith.constant 0 : i32
    %dma_start3A_70 = tpu.memref_slice %arg7[%dma_start3A_68, %dma_start3A_69] : memref<1000x128xf32, #tpu.memory_space<vmem_shared>> -> memref<1000x128xf32, #tpu.memory_space<vmem_shared>>
    %dma_start3A_71 = tpu.memref_slice %arg8[%dma_start3A_62] : memref<8x!tpu.dma_semaphore, #tpu.memory_space<semaphore_mem>> -> memref<1x!tpu.dma_semaphore, #tpu.memory_space<semaphore_mem>>
    %dma_start3A_72 = tpu.memref_squeeze %dma_start3A_71 : memref<1x!tpu.dma_semaphore, #tpu.memory_space<semaphore_mem>> -> memref<!tpu.dma_semaphore, #tpu.memory_space<semaphore_mem>>
    tpu.enqueue_indirect_dma source(%dma_start3A_70 : memref<1000x128xf32, #tpu.memory_space<vmem_shared>>) target(%dma_start3A_65 : memref<128x128xf32, #tpu.memory_space<vmem>>) offsets(%dma_start3A_67 : memref<128xi32, #tpu.memory_space<vmem>>) semaphore(%dma_start3A_72 : memref<!tpu.dma_semaphore, #tpu.memory_space<semaphore_mem>>)
    %dma_start3A_73 = arith.constant 6 : i32
    %dma_start3A_74 = arith.constant 432 : i32
    %dma_start3A_75 = arith.constant 0 : i32
    %dma_start3A_76 = tpu.memref_slice %arg6[%dma_start3A_74, %dma_start3A_75] : memref<512x128xf32, #tpu.memory_space<vmem>> -> memref<56x128xf32, #tpu.memory_space<vmem>>
    %dma_start3A_77 = arith.constant 432 : i32
    %dma_start3A_78 = tpu.memref_slice %arg5[%dma_start3A_77] : memref<512xi32, #tpu.memory_space<vmem>> -> memref<56xi32, #tpu.memory_space<vmem>>
    %dma_start3A_79 = arith.constant 0 : i32
    %dma_start3A_80 = arith.constant 0 : i32
    %dma_start3A_81 = tpu.memref_slice %arg7[%dma_start3A_79, %dma_start3A_80] : memref<1000x128xf32, #tpu.memory_space<vmem_shared>> -> memref<1000x128xf32, #tpu.memory_space<vmem_shared>>
    %dma_start3A_82 = tpu.memref_slice %arg8[%dma_start3A_73] : memref<8x!tpu.dma_semaphore, #tpu.memory_space<semaphore_mem>> -> memref<1x!tpu.dma_semaphore, #tpu.memory_space<semaphore_mem>>
    %dma_start3A_83 = tpu.memref_squeeze %dma_start3A_82 : memref<1x!tpu.dma_semaphore, #tpu.memory_space<semaphore_mem>> -> memref<!tpu.dma_semaphore, #tpu.memory_space<semaphore_mem>>
    tpu.enqueue_indirect_dma source(%dma_start3A_81 : memref<1000x128xf32, #tpu.memory_space<vmem_shared>>) target(%dma_start3A_76 : memref<56x128xf32, #tpu.memory_space<vmem>>) offsets(%dma_start3A_78 : memref<56xi32, #tpu.memory_space<vmem>>) semaphore(%dma_start3A_83 : memref<!tpu.dma_semaphore, #tpu.memory_space<semaphore_mem>>)
    %dma_start3A_84 = arith.constant 7 : i32
    %dma_start3A_85 = arith.constant 488 : i32
    %dma_start3A_86 = arith.constant 0 : i32
    %dma_start3A_87 = tpu.memref_slice %arg6[%dma_start3A_85, %dma_start3A_86] : memref<512x128xf32, #tpu.memory_space<vmem>> -> memref<24x128xf32, #tpu.memory_space<vmem>>
    %dma_start3A_88 = arith.constant 488 : i32
    %dma_start3A_89 = tpu.memref_slice %arg5[%dma_start3A_88] : memref<512xi32, #tpu.memory_space<vmem>> -> memref<24xi32, #tpu.memory_space<vmem>>
    %dma_start3A_90 = arith.constant 0 : i32
    %dma_start3A_91 = arith.constant 0 : i32
    %dma_start3A_92 = tpu.memref_slice %arg7[%dma_start3A_90, %dma_start3A_91] : memref<1000x128xf32, #tpu.memory_space<vmem_shared>> -> memref<1000x128xf32, #tpu.memory_space<vmem_shared>>
    %dma_start3A_93 = tpu.memref_slice %arg8[%dma_start3A_84] : memref<8x!tpu.dma_semaphore, #tpu.memory_space<semaphore_mem>> -> memref<1x!tpu.dma_semaphore, #tpu.memory_space<semaphore_mem>>
    %dma_start3A_94 = tpu.memref_squeeze %dma_start3A_93 : memref<1x!tpu.dma_semaphore, #tpu.memory_space<semaphore_mem>> -> memref<!tpu.dma_semaphore, #tpu.memory_space<semaphore_mem>>
    tpu.enqueue_indirect_dma source(%dma_start3A_92 : memref<1000x128xf32, #tpu.memory_space<vmem_shared>>) target(%dma_start3A_87 : memref<24x128xf32, #tpu.memory_space<vmem>>) offsets(%dma_start3A_89 : memref<24xi32, #tpu.memory_space<vmem>>) semaphore(%dma_start3A_94 : memref<!tpu.dma_semaphore, #tpu.memory_space<semaphore_mem>>)
    %dma_wait3A_95 = arith.constant 0 : i32
    %dma_wait3A_96 = arith.constant 0 : i32
    %dma_wait3A_97 = arith.constant 0 : i32
    %dma_wait3A_98 = tpu.memref_slice %arg6[%dma_wait3A_96, %dma_wait3A_97] : memref<512x128xf32, #tpu.memory_space<vmem>> -> memref<8x128xf32, #tpu.memory_space<vmem>>
    %dma_wait3A_99 = arith.constant 0 : i32
    %dma_wait3A_100 = tpu.memref_slice %arg5[%dma_wait3A_99] : memref<512xi32, #tpu.memory_space<vmem>> -> memref<8xi32, #tpu.memory_space<vmem>>
    %dma_wait3A_101 = arith.constant 0 : i32
    %dma_wait3A_102 = arith.constant 0 : i32
    %dma_wait3A_103 = tpu.memref_slice %arg7[%dma_wait3A_101, %dma_wait3A_102] : memref<1000x128xf32, #tpu.memory_space<vmem_shared>> -> memref<1000x128xf32, #tpu.memory_space<vmem_shared>>
    %dma_wait3A_104 = tpu.memref_slice %arg8[%dma_wait3A_95] : memref<8x!tpu.dma_semaphore, #tpu.memory_space<semaphore_mem>> -> memref<1x!tpu.dma_semaphore, #tpu.memory_space<semaphore_mem>>
    %dma_wait3A_105 = tpu.memref_squeeze %dma_wait3A_104 : memref<1x!tpu.dma_semaphore, #tpu.memory_space<semaphore_mem>> -> memref<!tpu.dma_semaphore, #tpu.memory_space<semaphore_mem>>
    tpu.wait_indirect_dma semaphore(%dma_wait3A_105 : memref<!tpu.dma_semaphore, #tpu.memory_space<semaphore_mem>>) src(%dma_wait3A_103 : memref<1000x128xf32, #tpu.memory_space<vmem_shared>>) dst(%dma_wait3A_98 : memref<8x128xf32, #tpu.memory_space<vmem>>)
    %add3A_106 = arith.constant 0 : i32
    %add3A_107 = arith.addi %mul3A_2, %add3A_106 : i32
    %dma_start3A_108 = arith.constant 0 : i32
    %dma_start3A_109 = arith.constant 0 : i32
    %dma_start3A_110 = tpu.memref_slice %arg6[%dma_start3A_108, %dma_start3A_109] : memref<512x128xf32, #tpu.memory_space<vmem>> -> memref<8x128xf32, #tpu.memory_space<vmem>>
    %dma_start3A_111 = arith.constant 0 : i32
    %dma_start3A_112 = tpu.memref_slice %arg4[%add3A_107, %dma_start3A_111] : memref<16384x128xf32, #tpu.memory_space<hbm>> -> memref<8x128xf32, #tpu.memory_space<hbm>>
    %dma_start3A_113 = arith.constant 0 : i32
    %dma_start3A_114 = tpu.memref_slice %arg4[%add3A_107, %dma_start3A_113] : memref<16384x128xf32, #tpu.memory_space<hbm>> -> memref<8x128xf32, #tpu.memory_space<hbm>>
    %dma_start3A_115 = arith.constant 0 : i32
    %dma_start3A_116 = arith.constant 0 : i32
    %dma_start3A_117 = tpu.memref_slice %arg6[%dma_start3A_115, %dma_start3A_116] : memref<512x128xf32, #tpu.memory_space<vmem>> -> memref<8x128xf32, #tpu.memory_space<vmem>>
    tpu.enqueue_dma source(%dma_start3A_117 : memref<8x128xf32, #tpu.memory_space<vmem>>) target(%dma_start3A_114 : memref<8x128xf32, #tpu.memory_space<hbm>>) target_semaphore(%arg9 : memref<!tpu.dma_semaphore, #tpu.memory_space<semaphore_mem>>)
    %dma_wait3A_118 = arith.constant 1 : i32
    %dma_wait3A_119 = arith.constant 8 : i32
    %dma_wait3A_120 = arith.constant 0 : i32
    %dma_wait3A_121 = tpu.memref_slice %arg6[%dma_wait3A_119, %dma_wait3A_120] : memref<512x128xf32, #tpu.memory_space<vmem>> -> memref<24x128xf32, #tpu.memory_space<vmem>>
    %dma_wait3A_122 = arith.constant 8 : i32
    %dma_wait3A_123 = tpu.memref_slice %arg5[%dma_wait3A_122] : memref<512xi32, #tpu.memory_space<vmem>> -> memref<24xi32, #tpu.memory_space<vmem>>
    %dma_wait3A_124 = arith.constant 0 : i32
    %dma_wait3A_125 = arith.constant 0 : i32
    %dma_wait3A_126 = tpu.memref_slice %arg7[%dma_wait3A_124, %dma_wait3A_125] : memref<1000x128xf32, #tpu.memory_space<vmem_shared>> -> memref<1000x128xf32, #tpu.memory_space<vmem_shared>>
    %dma_wait3A_127 = tpu.memref_slice %arg8[%dma_wait3A_118] : memref<8x!tpu.dma_semaphore, #tpu.memory_space<semaphore_mem>> -> memref<1x!tpu.dma_semaphore, #tpu.memory_space<semaphore_mem>>
    %dma_wait3A_128 = tpu.memref_squeeze %dma_wait3A_127 : memref<1x!tpu.dma_semaphore, #tpu.memory_space<semaphore_mem>> -> memref<!tpu.dma_semaphore, #tpu.memory_space<semaphore_mem>>
    tpu.wait_indirect_dma semaphore(%dma_wait3A_128 : memref<!tpu.dma_semaphore, #tpu.memory_space<semaphore_mem>>) src(%dma_wait3A_126 : memref<1000x128xf32, #tpu.memory_space<vmem_shared>>) dst(%dma_wait3A_121 : memref<24x128xf32, #tpu.memory_space<vmem>>)
    %add3A_129 = arith.constant 8 : i32
    %add3A_130 = arith.addi %mul3A_2, %add3A_129 : i32
    %dma_start3A_131 = arith.constant 8 : i32
    %dma_start3A_132 = arith.constant 0 : i32
    %dma_start3A_133 = tpu.memref_slice %arg6[%dma_start3A_131, %dma_start3A_132] : memref<512x128xf32, #tpu.memory_space<vmem>> -> memref<24x128xf32, #tpu.memory_space<vmem>>
    %dma_start3A_134 = arith.constant 0 : i32
    %dma_start3A_135 = tpu.memref_slice %arg4[%add3A_130, %dma_start3A_134] : memref<16384x128xf32, #tpu.memory_space<hbm>> -> memref<24x128xf32, #tpu.memory_space<hbm>>
    %dma_start3A_136 = arith.constant 0 : i32
    %dma_start3A_137 = tpu.memref_slice %arg4[%add3A_130, %dma_start3A_136] : memref<16384x128xf32, #tpu.memory_space<hbm>> -> memref<24x128xf32, #tpu.memory_space<hbm>>
    %dma_start3A_138 = arith.constant 8 : i32
    %dma_start3A_139 = arith.constant 0 : i32
    %dma_start3A_140 = tpu.memref_slice %arg6[%dma_start3A_138, %dma_start3A_139] : memref<512x128xf32, #tpu.memory_space<vmem>> -> memref<24x128xf32, #tpu.memory_space<vmem>>
    tpu.enqueue_dma source(%dma_start3A_140 : memref<24x128xf32, #tpu.memory_space<vmem>>) target(%dma_start3A_137 : memref<24x128xf32, #tpu.memory_space<hbm>>) target_semaphore(%arg9 : memref<!tpu.dma_semaphore, #tpu.memory_space<semaphore_mem>>)
    %dma_wait3A_141 = arith.constant 2 : i32
    %dma_wait3A_142 = arith.constant 32 : i32
    %dma_wait3A_143 = arith.constant 0 : i32
    %dma_wait3A_144 = tpu.memref_slice %arg6[%dma_wait3A_142, %dma_wait3A_143] : memref<512x128xf32, #tpu.memory_space<vmem>> -> memref<48x128xf32, #tpu.memory_space<vmem>>
    %dma_wait3A_145 = arith.constant 32 : i32
    %dma_wait3A_146 = tpu.memref_slice %arg5[%dma_wait3A_145] : memref<512xi32, #tpu.memory_space<vmem>> -> memref<48xi32, #tpu.memory_space<vmem>>
    %dma_wait3A_147 = arith.constant 0 : i32
    %dma_wait3A_148 = arith.constant 0 : i32
    %dma_wait3A_149 = tpu.memref_slice %arg7[%dma_wait3A_147, %dma_wait3A_148] : memref<1000x128xf32, #tpu.memory_space<vmem_shared>> -> memref<1000x128xf32, #tpu.memory_space<vmem_shared>>
    %dma_wait3A_150 = tpu.memref_slice %arg8[%dma_wait3A_141] : memref<8x!tpu.dma_semaphore, #tpu.memory_space<semaphore_mem>> -> memref<1x!tpu.dma_semaphore, #tpu.memory_space<semaphore_mem>>
    %dma_wait3A_151 = tpu.memref_squeeze %dma_wait3A_150 : memref<1x!tpu.dma_semaphore, #tpu.memory_space<semaphore_mem>> -> memref<!tpu.dma_semaphore, #tpu.memory_space<semaphore_mem>>
    tpu.wait_indirect_dma semaphore(%dma_wait3A_151 : memref<!tpu.dma_semaphore, #tpu.memory_space<semaphore_mem>>) src(%dma_wait3A_149 : memref<1000x128xf32, #tpu.memory_space<vmem_shared>>) dst(%dma_wait3A_144 : memref<48x128xf32, #tpu.memory_space<vmem>>)
    %add3A_152 = arith.constant 32 : i32
    %add3A_153 = arith.addi %mul3A_2, %add3A_152 : i32
    %dma_start3A_154 = arith.constant 32 : i32
    %dma_start3A_155 = arith.constant 0 : i32
    %dma_start3A_156 = tpu.memref_slice %arg6[%dma_start3A_154, %dma_start3A_155] : memref<512x128xf32, #tpu.memory_space<vmem>> -> memref<48x128xf32, #tpu.memory_space<vmem>>
    %dma_start3A_157 = arith.constant 0 : i32
    %dma_start3A_158 = tpu.memref_slice %arg4[%add3A_153, %dma_start3A_157] : memref<16384x128xf32, #tpu.memory_space<hbm>> -> memref<48x128xf32, #tpu.memory_space<hbm>>
    %dma_start3A_159 = arith.constant 0 : i32
    %dma_start3A_160 = tpu.memref_slice %arg4[%add3A_153, %dma_start3A_159] : memref<16384x128xf32, #tpu.memory_space<hbm>> -> memref<48x128xf32, #tpu.memory_space<hbm>>
    %dma_start3A_161 = arith.constant 32 : i32
    %dma_start3A_162 = arith.constant 0 : i32
    %dma_start3A_163 = tpu.memref_slice %arg6[%dma_start3A_161, %dma_start3A_162] : memref<512x128xf32, #tpu.memory_space<vmem>> -> memref<48x128xf32, #tpu.memory_space<vmem>>
    tpu.enqueue_dma source(%dma_start3A_163 : memref<48x128xf32, #tpu.memory_space<vmem>>) target(%dma_start3A_160 : memref<48x128xf32, #tpu.memory_space<hbm>>) target_semaphore(%arg9 : memref<!tpu.dma_semaphore, #tpu.memory_space<semaphore_mem>>)
    %dma_wait3A_164 = arith.constant 3 : i32
    %dma_wait3A_165 = arith.constant 80 : i32
    %dma_wait3A_166 = arith.constant 0 : i32
    %dma_wait3A_167 = tpu.memref_slice %arg6[%dma_wait3A_165, %dma_wait3A_166] : memref<512x128xf32, #tpu.memory_space<vmem>> -> memref<96x128xf32, #tpu.memory_space<vmem>>
    %dma_wait3A_168 = arith.constant 80 : i32
    %dma_wait3A_169 = tpu.memref_slice %arg5[%dma_wait3A_168] : memref<512xi32, #tpu.memory_space<vmem>> -> memref<96xi32, #tpu.memory_space<vmem>>
    %dma_wait3A_170 = arith.constant 0 : i32
    %dma_wait3A_171 = arith.constant 0 : i32
    %dma_wait3A_172 = tpu.memref_slice %arg7[%dma_wait3A_170, %dma_wait3A_171] : memref<1000x128xf32, #tpu.memory_space<vmem_shared>> -> memref<1000x128xf32, #tpu.memory_space<vmem_shared>>
    %dma_wait3A_173 = tpu.memref_slice %arg8[%dma_wait3A_164] : memref<8x!tpu.dma_semaphore, #tpu.memory_space<semaphore_mem>> -> memref<1x!tpu.dma_semaphore, #tpu.memory_space<semaphore_mem>>
    %dma_wait3A_174 = tpu.memref_squeeze %dma_wait3A_173 : memref<1x!tpu.dma_semaphore, #tpu.memory_space<semaphore_mem>> -> memref<!tpu.dma_semaphore, #tpu.memory_space<semaphore_mem>>
    tpu.wait_indirect_dma semaphore(%dma_wait3A_174 : memref<!tpu.dma_semaphore, #tpu.memory_space<semaphore_mem>>) src(%dma_wait3A_172 : memref<1000x128xf32, #tpu.memory_space<vmem_shared>>) dst(%dma_wait3A_167 : memref<96x128xf32, #tpu.memory_space<vmem>>)
    %add3A_175 = arith.constant 80 : i32
    %add3A_176 = arith.addi %mul3A_2, %add3A_175 : i32
    %dma_start3A_177 = arith.constant 80 : i32
    %dma_start3A_178 = arith.constant 0 : i32
    %dma_start3A_179 = tpu.memref_slice %arg6[%dma_start3A_177, %dma_start3A_178] : memref<512x128xf32, #tpu.memory_space<vmem>> -> memref<96x128xf32, #tpu.memory_space<vmem>>
    %dma_start3A_180 = arith.constant 0 : i32
    %dma_start3A_181 = tpu.memref_slice %arg4[%add3A_176, %dma_start3A_180] : memref<16384x128xf32, #tpu.memory_space<hbm>> -> memref<96x128xf32, #tpu.memory_space<hbm>>
    %dma_start3A_182 = arith.constant 0 : i32
    %dma_start3A_183 = tpu.memref_slice %arg4[%add3A_176, %dma_start3A_182] : memref<16384x128xf32, #tpu.memory_space<hbm>> -> memref<96x128xf32, #tpu.memory_space<hbm>>
    %dma_start3A_184 = arith.constant 80 : i32
    %dma_start3A_185 = arith.constant 0 : i32
    %dma_start3A_186 = tpu.memref_slice %arg6[%dma_start3A_184, %dma_start3A_185] : memref<512x128xf32, #tpu.memory_space<vmem>> -> memref<96x128xf32, #tpu.memory_space<vmem>>
    tpu.enqueue_dma source(%dma_start3A_186 : memref<96x128xf32, #tpu.memory_space<vmem>>) target(%dma_start3A_183 : memref<96x128xf32, #tpu.memory_space<hbm>>) target_semaphore(%arg9 : memref<!tpu.dma_semaphore, #tpu.memory_space<semaphore_mem>>)
    %dma_wait3A_187 = arith.constant 4 : i32
    %dma_wait3A_188 = arith.constant 176 : i32
    %dma_wait3A_189 = arith.constant 0 : i32
    %dma_wait3A_190 = tpu.memref_slice %arg6[%dma_wait3A_188, %dma_wait3A_189] : memref<512x128xf32, #tpu.memory_space<vmem>> -> memref<128x128xf32, #tpu.memory_space<vmem>>
    %dma_wait3A_191 = arith.constant 176 : i32
    %dma_wait3A_192 = tpu.memref_slice %arg5[%dma_wait3A_191] : memref<512xi32, #tpu.memory_space<vmem>> -> memref<128xi32, #tpu.memory_space<vmem>>
    %dma_wait3A_193 = arith.constant 0 : i32
    %dma_wait3A_194 = arith.constant 0 : i32
    %dma_wait3A_195 = tpu.memref_slice %arg7[%dma_wait3A_193, %dma_wait3A_194] : memref<1000x128xf32, #tpu.memory_space<vmem_shared>> -> memref<1000x128xf32, #tpu.memory_space<vmem_shared>>
    %dma_wait3A_196 = tpu.memref_slice %arg8[%dma_wait3A_187] : memref<8x!tpu.dma_semaphore, #tpu.memory_space<semaphore_mem>> -> memref<1x!tpu.dma_semaphore, #tpu.memory_space<semaphore_mem>>
    %dma_wait3A_197 = tpu.memref_squeeze %dma_wait3A_196 : memref<1x!tpu.dma_semaphore, #tpu.memory_space<semaphore_mem>> -> memref<!tpu.dma_semaphore, #tpu.memory_space<semaphore_mem>>
    tpu.wait_indirect_dma semaphore(%dma_wait3A_197 : memref<!tpu.dma_semaphore, #tpu.memory_space<semaphore_mem>>) src(%dma_wait3A_195 : memref<1000x128xf32, #tpu.memory_space<vmem_shared>>) dst(%dma_wait3A_190 : memref<128x128xf32, #tpu.memory_space<vmem>>)
    %add3A_198 = arith.constant 176 : i32
    %add3A_199 = arith.addi %mul3A_2, %add3A_198 : i32
    %dma_start3A_200 = arith.constant 176 : i32
    %dma_start3A_201 = arith.constant 0 : i32
    %dma_start3A_202 = tpu.memref_slice %arg6[%dma_start3A_200, %dma_start3A_201] : memref<512x128xf32, #tpu.memory_space<vmem>> -> memref<128x128xf32, #tpu.memory_space<vmem>>
    %dma_start3A_203 = arith.constant 0 : i32
    %dma_start3A_204 = tpu.memref_slice %arg4[%add3A_199, %dma_start3A_203] : memref<16384x128xf32, #tpu.memory_space<hbm>> -> memref<128x128xf32, #tpu.memory_space<hbm>>
    %dma_start3A_205 = arith.constant 0 : i32
    %dma_start3A_206 = tpu.memref_slice %arg4[%add3A_199, %dma_start3A_205] : memref<16384x128xf32, #tpu.memory_space<hbm>> -> memref<128x128xf32, #tpu.memory_space<hbm>>
    %dma_start3A_207 = arith.constant 176 : i32
    %dma_start3A_208 = arith.constant 0 : i32
    %dma_start3A_209 = tpu.memref_slice %arg6[%dma_start3A_207, %dma_start3A_208] : memref<512x128xf32, #tpu.memory_space<vmem>> -> memref<128x128xf32, #tpu.memory_space<vmem>>
    tpu.enqueue_dma source(%dma_start3A_209 : memref<128x128xf32, #tpu.memory_space<vmem>>) target(%dma_start3A_206 : memref<128x128xf32, #tpu.memory_space<hbm>>) target_semaphore(%arg9 : memref<!tpu.dma_semaphore, #tpu.memory_space<semaphore_mem>>)
    %dma_wait3A_210 = arith.constant 5 : i32
    %dma_wait3A_211 = arith.constant 304 : i32
    %dma_wait3A_212 = arith.constant 0 : i32
    %dma_wait3A_213 = tpu.memref_slice %arg6[%dma_wait3A_211, %dma_wait3A_212] : memref<512x128xf32, #tpu.memory_space<vmem>> -> memref<128x128xf32, #tpu.memory_space<vmem>>
    %dma_wait3A_214 = arith.constant 304 : i32
    %dma_wait3A_215 = tpu.memref_slice %arg5[%dma_wait3A_214] : memref<512xi32, #tpu.memory_space<vmem>> -> memref<128xi32, #tpu.memory_space<vmem>>
    %dma_wait3A_216 = arith.constant 0 : i32
    %dma_wait3A_217 = arith.constant 0 : i32
    %dma_wait3A_218 = tpu.memref_slice %arg7[%dma_wait3A_216, %dma_wait3A_217] : memref<1000x128xf32, #tpu.memory_space<vmem_shared>> -> memref<1000x128xf32, #tpu.memory_space<vmem_shared>>
    %dma_wait3A_219 = tpu.memref_slice %arg8[%dma_wait3A_210] : memref<8x!tpu.dma_semaphore, #tpu.memory_space<semaphore_mem>> -> memref<1x!tpu.dma_semaphore, #tpu.memory_space<semaphore_mem>>
    %dma_wait3A_220 = tpu.memref_squeeze %dma_wait3A_219 : memref<1x!tpu.dma_semaphore, #tpu.memory_space<semaphore_mem>> -> memref<!tpu.dma_semaphore, #tpu.memory_space<semaphore_mem>>
    tpu.wait_indirect_dma semaphore(%dma_wait3A_220 : memref<!tpu.dma_semaphore, #tpu.memory_space<semaphore_mem>>) src(%dma_wait3A_218 : memref<1000x128xf32, #tpu.memory_space<vmem_shared>>) dst(%dma_wait3A_213 : memref<128x128xf32, #tpu.memory_space<vmem>>)
    %add3A_221 = arith.constant 304 : i32
    %add3A_222 = arith.addi %mul3A_2, %add3A_221 : i32
    %dma_start3A_223 = arith.constant 304 : i32
    %dma_start3A_224 = arith.constant 0 : i32
    %dma_start3A_225 = tpu.memref_slice %arg6[%dma_start3A_223, %dma_start3A_224] : memref<512x128xf32, #tpu.memory_space<vmem>> -> memref<128x128xf32, #tpu.memory_space<vmem>>
    %dma_start3A_226 = arith.constant 0 : i32
    %dma_start3A_227 = tpu.memref_slice %arg4[%add3A_222, %dma_start3A_226] : memref<16384x128xf32, #tpu.memory_space<hbm>> -> memref<128x128xf32, #tpu.memory_space<hbm>>
    %dma_start3A_228 = arith.constant 0 : i32
    %dma_start3A_229 = tpu.memref_slice %arg4[%add3A_222, %dma_start3A_228] : memref<16384x128xf32, #tpu.memory_space<hbm>> -> memref<128x128xf32, #tpu.memory_space<hbm>>
    %dma_start3A_230 = arith.constant 304 : i32
    %dma_start3A_231 = arith.constant 0 : i32
    %dma_start3A_232 = tpu.memref_slice %arg6[%dma_start3A_230, %dma_start3A_231] : memref<512x128xf32, #tpu.memory_space<vmem>> -> memref<128x128xf32, #tpu.memory_space<vmem>>
    tpu.enqueue_dma source(%dma_start3A_232 : memref<128x128xf32, #tpu.memory_space<vmem>>) target(%dma_start3A_229 : memref<128x128xf32, #tpu.memory_space<hbm>>) target_semaphore(%arg9 : memref<!tpu.dma_semaphore, #tpu.memory_space<semaphore_mem>>)
    %dma_wait3A_233 = arith.constant 6 : i32
    %dma_wait3A_234 = arith.constant 432 : i32
    %dma_wait3A_235 = arith.constant 0 : i32
    %dma_wait3A_236 = tpu.memref_slice %arg6[%dma_wait3A_234, %dma_wait3A_235] : memref<512x128xf32, #tpu.memory_space<vmem>> -> memref<56x128xf32, #tpu.memory_space<vmem>>
    %dma_wait3A_237 = arith.constant 432 : i32
    %dma_wait3A_238 = tpu.memref_slice %arg5[%dma_wait3A_237] : memref<512xi32, #tpu.memory_space<vmem>> -> memref<56xi32, #tpu.memory_space<vmem>>
    %dma_wait3A_239 = arith.constant 0 : i32
    %dma_wait3A_240 = arith.constant 0 : i32
    %dma_wait3A_241 = tpu.memref_slice %arg7[%dma_wait3A_239, %dma_wait3A_240] : memref<1000x128xf32, #tpu.memory_space<vmem_shared>> -> memref<1000x128xf32, #tpu.memory_space<vmem_shared>>
    %dma_wait3A_242 = tpu.memref_slice %arg8[%dma_wait3A_233] : memref<8x!tpu.dma_semaphore, #tpu.memory_space<semaphore_mem>> -> memref<1x!tpu.dma_semaphore, #tpu.memory_space<semaphore_mem>>
    %dma_wait3A_243 = tpu.memref_squeeze %dma_wait3A_242 : memref<1x!tpu.dma_semaphore, #tpu.memory_space<semaphore_mem>> -> memref<!tpu.dma_semaphore, #tpu.memory_space<semaphore_mem>>
    tpu.wait_indirect_dma semaphore(%dma_wait3A_243 : memref<!tpu.dma_semaphore, #tpu.memory_space<semaphore_mem>>) src(%dma_wait3A_241 : memref<1000x128xf32, #tpu.memory_space<vmem_shared>>) dst(%dma_wait3A_236 : memref<56x128xf32, #tpu.memory_space<vmem>>)
    %add3A_244 = arith.constant 432 : i32
    %add3A_245 = arith.addi %mul3A_2, %add3A_244 : i32
    %dma_start3A_246 = arith.constant 432 : i32
    %dma_start3A_247 = arith.constant 0 : i32
    %dma_start3A_248 = tpu.memref_slice %arg6[%dma_start3A_246, %dma_start3A_247] : memref<512x128xf32, #tpu.memory_space<vmem>> -> memref<56x128xf32, #tpu.memory_space<vmem>>
    %dma_start3A_249 = arith.constant 0 : i32
    %dma_start3A_250 = tpu.memref_slice %arg4[%add3A_245, %dma_start3A_249] : memref<16384x128xf32, #tpu.memory_space<hbm>> -> memref<56x128xf32, #tpu.memory_space<hbm>>
    %dma_start3A_251 = arith.constant 0 : i32
    %dma_start3A_252 = tpu.memref_slice %arg4[%add3A_245, %dma_start3A_251] : memref<16384x128xf32, #tpu.memory_space<hbm>> -> memref<56x128xf32, #tpu.memory_space<hbm>>
    %dma_start3A_253 = arith.constant 432 : i32
    %dma_start3A_254 = arith.constant 0 : i32
    %dma_start3A_255 = tpu.memref_slice %arg6[%dma_start3A_253, %dma_start3A_254] : memref<512x128xf32, #tpu.memory_space<vmem>> -> memref<56x128xf32, #tpu.memory_space<vmem>>
    tpu.enqueue_dma source(%dma_start3A_255 : memref<56x128xf32, #tpu.memory_space<vmem>>) target(%dma_start3A_252 : memref<56x128xf32, #tpu.memory_space<hbm>>) target_semaphore(%arg9 : memref<!tpu.dma_semaphore, #tpu.memory_space<semaphore_mem>>)
    %dma_wait3A_256 = arith.constant 7 : i32
    %dma_wait3A_257 = arith.constant 488 : i32
    %dma_wait3A_258 = arith.constant 0 : i32
    %dma_wait3A_259 = tpu.memref_slice %arg6[%dma_wait3A_257, %dma_wait3A_258] : memref<512x128xf32, #tpu.memory_space<vmem>> -> memref<24x128xf32, #tpu.memory_space<vmem>>
    %dma_wait3A_260 = arith.constant 488 : i32
    %dma_wait3A_261 = tpu.memref_slice %arg5[%dma_wait3A_260] : memref<512xi32, #tpu.memory_space<vmem>> -> memref<24xi32, #tpu.memory_space<vmem>>
    %dma_wait3A_262 = arith.constant 0 : i32
    %dma_wait3A_263 = arith.constant 0 : i32
    %dma_wait3A_264 = tpu.memref_slice %arg7[%dma_wait3A_262, %dma_wait3A_263] : memref<1000x128xf32, #tpu.memory_space<vmem_shared>> -> memref<1000x128xf32, #tpu.memory_space<vmem_shared>>
    %dma_wait3A_265 = tpu.memref_slice %arg8[%dma_wait3A_256] : memref<8x!tpu.dma_semaphore, #tpu.memory_space<semaphore_mem>> -> memref<1x!tpu.dma_semaphore, #tpu.memory_space<semaphore_mem>>
    %dma_wait3A_266 = tpu.memref_squeeze %dma_wait3A_265 : memref<1x!tpu.dma_semaphore, #tpu.memory_space<semaphore_mem>> -> memref<!tpu.dma_semaphore, #tpu.memory_space<semaphore_mem>>
    tpu.wait_indirect_dma semaphore(%dma_wait3A_266 : memref<!tpu.dma_semaphore, #tpu.memory_space<semaphore_mem>>) src(%dma_wait3A_264 : memref<1000x128xf32, #tpu.memory_space<vmem_shared>>) dst(%dma_wait3A_259 : memref<24x128xf32, #tpu.memory_space<vmem>>)
    %add3A_267 = arith.constant 488 : i32
    %add3A_268 = arith.addi %mul3A_2, %add3A_267 : i32
    %dma_start3A_269 = arith.constant 488 : i32
    %dma_start3A_270 = arith.constant 0 : i32
    %dma_start3A_271 = tpu.memref_slice %arg6[%dma_start3A_269, %dma_start3A_270] : memref<512x128xf32, #tpu.memory_space<vmem>> -> memref<24x128xf32, #tpu.memory_space<vmem>>
    %dma_start3A_272 = arith.constant 0 : i32
    %dma_start3A_273 = tpu.memref_slice %arg4[%add3A_268, %dma_start3A_272] : memref<16384x128xf32, #tpu.memory_space<hbm>> -> memref<24x128xf32, #tpu.memory_space<hbm>>
    %dma_start3A_274 = arith.constant 0 : i32
    %dma_start3A_275 = tpu.memref_slice %arg4[%add3A_268, %dma_start3A_274] : memref<16384x128xf32, #tpu.memory_space<hbm>> -> memref<24x128xf32, #tpu.memory_space<hbm>>
    %dma_start3A_276 = arith.constant 488 : i32
    %dma_start3A_277 = arith.constant 0 : i32
    %dma_start3A_278 = tpu.memref_slice %arg6[%dma_start3A_276, %dma_start3A_277] : memref<512x128xf32, #tpu.memory_space<vmem>> -> memref<24x128xf32, #tpu.memory_space<vmem>>
    tpu.enqueue_dma source(%dma_start3A_278 : memref<24x128xf32, #tpu.memory_space<vmem>>) target(%dma_start3A_275 : memref<24x128xf32, #tpu.memory_space<hbm>>) target_semaphore(%arg9 : memref<!tpu.dma_semaphore, #tpu.memory_space<semaphore_mem>>)
    %dma_wait3A_279 = arith.constant 0 : i32
    %dma_wait3A_280 = arith.constant 0 : i32
    %dma_wait3A_281 = tpu.memref_slice %arg6[%dma_wait3A_279, %dma_wait3A_280] : memref<512x128xf32, #tpu.memory_space<vmem>> -> memref<8x128xf32, #tpu.memory_space<vmem>>
    %dma_wait3A_282 = arith.constant 0 : i32
    %dma_wait3A_283 = tpu.memref_slice %arg4[%add3A_107, %dma_wait3A_282] : memref<16384x128xf32, #tpu.memory_space<hbm>> -> memref<8x128xf32, #tpu.memory_space<hbm>>
    %dma_wait3A_284 = arith.constant 0 : i32
    %dma_wait3A_285 = tpu.memref_slice %arg4[%add3A_107, %dma_wait3A_284] : memref<16384x128xf32, #tpu.memory_space<hbm>> -> memref<8x128xf32, #tpu.memory_space<hbm>>
    %dma_wait3A_286 = arith.constant 0 : i32
    %dma_wait3A_287 = arith.constant 0 : i32
    %dma_wait3A_288 = tpu.memref_slice %arg6[%dma_wait3A_286, %dma_wait3A_287] : memref<512x128xf32, #tpu.memory_space<vmem>> -> memref<8x128xf32, #tpu.memory_space<vmem>>
    tpu.wait_dma2 semaphore(%arg9 : memref<!tpu.dma_semaphore, #tpu.memory_space<semaphore_mem>>) src(%dma_wait3A_288 : memref<8x128xf32, #tpu.memory_space<vmem>>) dst(%dma_wait3A_285 : memref<8x128xf32, #tpu.memory_space<hbm>>)
    %dma_wait3A_289 = arith.constant 8 : i32
    %dma_wait3A_290 = arith.constant 0 : i32
    %dma_wait3A_291 = tpu.memref_slice %arg6[%dma_wait3A_289, %dma_wait3A_290] : memref<512x128xf32, #tpu.memory_space<vmem>> -> memref<24x128xf32, #tpu.memory_space<vmem>>
    %dma_wait3A_292 = arith.constant 0 : i32
    %dma_wait3A_293 = tpu.memref_slice %arg4[%add3A_130, %dma_wait3A_292] : memref<16384x128xf32, #tpu.memory_space<hbm>> -> memref<24x128xf32, #tpu.memory_space<hbm>>
    %dma_wait3A_294 = arith.constant 0 : i32
    %dma_wait3A_295 = tpu.memref_slice %arg4[%add3A_130, %dma_wait3A_294] : memref<16384x128xf32, #tpu.memory_space<hbm>> -> memref<24x128xf32, #tpu.memory_space<hbm>>
    %dma_wait3A_296 = arith.constant 8 : i32
    %dma_wait3A_297 = arith.constant 0 : i32
    %dma_wait3A_298 = tpu.memref_slice %arg6[%dma_wait3A_296, %dma_wait3A_297] : memref<512x128xf32, #tpu.memory_space<vmem>> -> memref<24x128xf32, #tpu.memory_space<vmem>>
    tpu.wait_dma2 semaphore(%arg9 : memref<!tpu.dma_semaphore, #tpu.memory_space<semaphore_mem>>) src(%dma_wait3A_298 : memref<24x128xf32, #tpu.memory_space<vmem>>) dst(%dma_wait3A_295 : memref<24x128xf32, #tpu.memory_space<hbm>>)
    %dma_wait3A_299 = arith.constant 32 : i32
    %dma_wait3A_300 = arith.constant 0 : i32
    %dma_wait3A_301 = tpu.memref_slice %arg6[%dma_wait3A_299, %dma_wait3A_300] : memref<512x128xf32, #tpu.memory_space<vmem>> -> memref<48x128xf32, #tpu.memory_space<vmem>>
    %dma_wait3A_302 = arith.constant 0 : i32
    %dma_wait3A_303 = tpu.memref_slice %arg4[%add3A_153, %dma_wait3A_302] : memref<16384x128xf32, #tpu.memory_space<hbm>> -> memref<48x128xf32, #tpu.memory_space<hbm>>
    %dma_wait3A_304 = arith.constant 0 : i32
    %dma_wait3A_305 = tpu.memref_slice %arg4[%add3A_153, %dma_wait3A_304] : memref<16384x128xf32, #tpu.memory_space<hbm>> -> memref<48x128xf32, #tpu.memory_space<hbm>>
    %dma_wait3A_306 = arith.constant 32 : i32
    %dma_wait3A_307 = arith.constant 0 : i32
    %dma_wait3A_308 = tpu.memref_slice %arg6[%dma_wait3A_306, %dma_wait3A_307] : memref<512x128xf32, #tpu.memory_space<vmem>> -> memref<48x128xf32, #tpu.memory_space<vmem>>
    tpu.wait_dma2 semaphore(%arg9 : memref<!tpu.dma_semaphore, #tpu.memory_space<semaphore_mem>>) src(%dma_wait3A_308 : memref<48x128xf32, #tpu.memory_space<vmem>>) dst(%dma_wait3A_305 : memref<48x128xf32, #tpu.memory_space<hbm>>)
    %dma_wait3A_309 = arith.constant 80 : i32
    %dma_wait3A_310 = arith.constant 0 : i32
    %dma_wait3A_311 = tpu.memref_slice %arg6[%dma_wait3A_309, %dma_wait3A_310] : memref<512x128xf32, #tpu.memory_space<vmem>> -> memref<96x128xf32, #tpu.memory_space<vmem>>
    %dma_wait3A_312 = arith.constant 0 : i32
    %dma_wait3A_313 = tpu.memref_slice %arg4[%add3A_176, %dma_wait3A_312] : memref<16384x128xf32, #tpu.memory_space<hbm>> -> memref<96x128xf32, #tpu.memory_space<hbm>>
    %dma_wait3A_314 = arith.constant 0 : i32
    %dma_wait3A_315 = tpu.memref_slice %arg4[%add3A_176, %dma_wait3A_314] : memref<16384x128xf32, #tpu.memory_space<hbm>> -> memref<96x128xf32, #tpu.memory_space<hbm>>
    %dma_wait3A_316 = arith.constant 80 : i32
    %dma_wait3A_317 = arith.constant 0 : i32
    %dma_wait3A_318 = tpu.memref_slice %arg6[%dma_wait3A_316, %dma_wait3A_317] : memref<512x128xf32, #tpu.memory_space<vmem>> -> memref<96x128xf32, #tpu.memory_space<vmem>>
    tpu.wait_dma2 semaphore(%arg9 : memref<!tpu.dma_semaphore, #tpu.memory_space<semaphore_mem>>) src(%dma_wait3A_318 : memref<96x128xf32, #tpu.memory_space<vmem>>) dst(%dma_wait3A_315 : memref<96x128xf32, #tpu.memory_space<hbm>>)
    %dma_wait3A_319 = arith.constant 176 : i32
    %dma_wait3A_320 = arith.constant 0 : i32
    %dma_wait3A_321 = tpu.memref_slice %arg6[%dma_wait3A_319, %dma_wait3A_320] : memref<512x128xf32, #tpu.memory_space<vmem>> -> memref<128x128xf32, #tpu.memory_space<vmem>>
    %dma_wait3A_322 = arith.constant 0 : i32
    %dma_wait3A_323 = tpu.memref_slice %arg4[%add3A_199, %dma_wait3A_322] : memref<16384x128xf32, #tpu.memory_space<hbm>> -> memref<128x128xf32, #tpu.memory_space<hbm>>
    %dma_wait3A_324 = arith.constant 0 : i32
    %dma_wait3A_325 = tpu.memref_slice %arg4[%add3A_199, %dma_wait3A_324] : memref<16384x128xf32, #tpu.memory_space<hbm>> -> memref<128x128xf32, #tpu.memory_space<hbm>>
    %dma_wait3A_326 = arith.constant 176 : i32
    %dma_wait3A_327 = arith.constant 0 : i32
    %dma_wait3A_328 = tpu.memref_slice %arg6[%dma_wait3A_326, %dma_wait3A_327] : memref<512x128xf32, #tpu.memory_space<vmem>> -> memref<128x128xf32, #tpu.memory_space<vmem>>
    tpu.wait_dma2 semaphore(%arg9 : memref<!tpu.dma_semaphore, #tpu.memory_space<semaphore_mem>>) src(%dma_wait3A_328 : memref<128x128xf32, #tpu.memory_space<vmem>>) dst(%dma_wait3A_325 : memref<128x128xf32, #tpu.memory_space<hbm>>)
    %dma_wait3A_329 = arith.constant 304 : i32
    %dma_wait3A_330 = arith.constant 0 : i32
    %dma_wait3A_331 = tpu.memref_slice %arg6[%dma_wait3A_329, %dma_wait3A_330] : memref<512x128xf32, #tpu.memory_space<vmem>> -> memref<128x128xf32, #tpu.memory_space<vmem>>
    %dma_wait3A_332 = arith.constant 0 : i32
    %dma_wait3A_333 = tpu.memref_slice %arg4[%add3A_222, %dma_wait3A_332] : memref<16384x128xf32, #tpu.memory_space<hbm>> -> memref<128x128xf32, #tpu.memory_space<hbm>>
    %dma_wait3A_334 = arith.constant 0 : i32
    %dma_wait3A_335 = tpu.memref_slice %arg4[%add3A_222, %dma_wait3A_334] : memref<16384x128xf32, #tpu.memory_space<hbm>> -> memref<128x128xf32, #tpu.memory_space<hbm>>
    %dma_wait3A_336 = arith.constant 304 : i32
    %dma_wait3A_337 = arith.constant 0 : i32
    %dma_wait3A_338 = tpu.memref_slice %arg6[%dma_wait3A_336, %dma_wait3A_337] : memref<512x128xf32, #tpu.memory_space<vmem>> -> memref<128x128xf32, #tpu.memory_space<vmem>>
    tpu.wait_dma2 semaphore(%arg9 : memref<!tpu.dma_semaphore, #tpu.memory_space<semaphore_mem>>) src(%dma_wait3A_338 : memref<128x128xf32, #tpu.memory_space<vmem>>) dst(%dma_wait3A_335 : memref<128x128xf32, #tpu.memory_space<hbm>>)
    %dma_wait3A_339 = arith.constant 432 : i32
    %dma_wait3A_340 = arith.constant 0 : i32
    %dma_wait3A_341 = tpu.memref_slice %arg6[%dma_wait3A_339, %dma_wait3A_340] : memref<512x128xf32, #tpu.memory_space<vmem>> -> memref<56x128xf32, #tpu.memory_space<vmem>>
    %dma_wait3A_342 = arith.constant 0 : i32
    %dma_wait3A_343 = tpu.memref_slice %arg4[%add3A_245, %dma_wait3A_342] : memref<16384x128xf32, #tpu.memory_space<hbm>> -> memref<56x128xf32, #tpu.memory_space<hbm>>
    %dma_wait3A_344 = arith.constant 0 : i32
    %dma_wait3A_345 = tpu.memref_slice %arg4[%add3A_245, %dma_wait3A_344] : memref<16384x128xf32, #tpu.memory_space<hbm>> -> memref<56x128xf32, #tpu.memory_space<hbm>>
    %dma_wait3A_346 = arith.constant 432 : i32
    %dma_wait3A_347 = arith.constant 0 : i32
    %dma_wait3A_348 = tpu.memref_slice %arg6[%dma_wait3A_346, %dma_wait3A_347] : memref<512x128xf32, #tpu.memory_space<vmem>> -> memref<56x128xf32, #tpu.memory_space<vmem>>
    tpu.wait_dma2 semaphore(%arg9 : memref<!tpu.dma_semaphore, #tpu.memory_space<semaphore_mem>>) src(%dma_wait3A_348 : memref<56x128xf32, #tpu.memory_space<vmem>>) dst(%dma_wait3A_345 : memref<56x128xf32, #tpu.memory_space<hbm>>)
    %dma_wait3A_349 = arith.constant 488 : i32
    %dma_wait3A_350 = arith.constant 0 : i32
    %dma_wait3A_351 = tpu.memref_slice %arg6[%dma_wait3A_349, %dma_wait3A_350] : memref<512x128xf32, #tpu.memory_space<vmem>> -> memref<24x128xf32, #tpu.memory_space<vmem>>
    %dma_wait3A_352 = arith.constant 0 : i32
    %dma_wait3A_353 = tpu.memref_slice %arg4[%add3A_268, %dma_wait3A_352] : memref<16384x128xf32, #tpu.memory_space<hbm>> -> memref<24x128xf32, #tpu.memory_space<hbm>>
    %dma_wait3A_354 = arith.constant 0 : i32
    %dma_wait3A_355 = tpu.memref_slice %arg4[%add3A_268, %dma_wait3A_354] : memref<16384x128xf32, #tpu.memory_space<hbm>> -> memref<24x128xf32, #tpu.memory_space<hbm>>
    %dma_wait3A_356 = arith.constant 488 : i32
    %dma_wait3A_357 = arith.constant 0 : i32
    %dma_wait3A_358 = tpu.memref_slice %arg6[%dma_wait3A_356, %dma_wait3A_357] : memref<512x128xf32, #tpu.memory_space<vmem>> -> memref<24x128xf32, #tpu.memory_space<vmem>>
    tpu.wait_dma2 semaphore(%arg9 : memref<!tpu.dma_semaphore, #tpu.memory_space<semaphore_mem>>) src(%dma_wait3A_358 : memref<24x128xf32, #tpu.memory_space<vmem>>) dst(%dma_wait3A_355 : memref<24x128xf32, #tpu.memory_space<hbm>>)
    return
  }
}

</mosaic_0001>

<sc_bundles>
// kernel: kernel.3.cloned.1.call-start
scs
__scs_entry_jumppad:
0x0: {  	(pc) =	sbr.rel $0x88, $3  }
0x1: {  	(tag) =	ssettag $0x0;
	lr =	simm.s32 $0x1  }
0x2: {  	[smem:$0x3F9F] =	sst lr;
	_ =	strace $0xD0000000  }
0x3: {  	_ = 	snop  }
0x4: {  	_ = 	snop  }
0x5: {  	_ = 	snop  }
0x6: {  	_ = 	snop  }
0x7: {  	_ = 	snop  }
__scs_overlays_trampoline_lowered:
0x8: {  	[smem:$0x3FAE] =	sst s0  }
0x9: {  	[smem:$0x3FAF] =	sst s1  }
0xa: {  	[smem:$0x3FB0] =	sst s2  }
0xb: {  	[smem:$0x3FB1] =	sst s3  }
0xc: {  	[smem:$0x3FB2] =	sst s4  }
0xd: {  	[smem:$0x3FB3] =	sst s5  }
0xe: {  	[smem:$0x3FB4] =	sst s6  }
0xf: {  	[smem:$0x3FB5] =	sst s7  }
0x10: {  	[smem:$0x3FB6] =	sst s8  }
0x11: {  	[smem:$0x3FB7] =	sst s9;
	s0 =	simm.s32 @!p0 $0x0  }
0x12: {  	s1 =	sld [smem:$0x3F9D];
	s0 =	simm.s32 @p0 $0x1  }
0x13: {  	[smem:$0x3FB8] =	sst s0;
	s0 =	simm.s32 @!p1 $0x0  }
0x14: {  	s2 =	sld [smem:$0x3F9C];
	s0 =	simm.s32 @p1 $0x1  }
0x15: {  	[smem:$0x3FB9] =	sst s0;
	s0 =	simm.s32 @!p2 $0x0  }
0x16: {  	s3 =	sld [smem:$0x3FDB];
	s0 =	simm.s32 @p2 $0x1  }
0x17: {  	s4 =	simm.s32 $0x1BF5;
	[smem:$0x3FBB] =	sst s0  }
0x18: {  	s0 =	sld [smem:$0x3F9E];
	_ =	swait.ge [sflag:s4], $0x0  }
0x19: {  	s7 =	sld [smem:$0x3F9F]  }
0x1a: {  	s8 =	sadd.s32 $0xFFFFE003, lr  }
0x1b: {  	s9 =	sadd.s32 $0xFFFFFEF7, lr;
	s5 =	simm.s32 $0xFFFFFFFF;
	p2 =	slt.u32 s8, $0xFFFFF086  }
0x1c: {  	p1 =	slt.u32 s9, $0xF7A;
	s5 =	simm.s32 @!p2 $0x0  }
0x1d: {  	s5 =	simm.s32 @p1 $0x1;
	p0 =	seq.s32 s7, s2  }
0x1e: {  	s7 =	smul.u32 @!p0 $0xF7A, s2;
	p2 =	seq.s32 @!p0 s5, $0x0  }
0x1f: {  	s9 =	smul.u32 $0xF7A, s1;
	s8 =	simm.s32 @!p0 $0x1BF5;
	p2 =	por !p2, p0  }
0x20: {  	[sflag:s8] =	ssyncset.s32 @!p0 $0xFFFFF086;
	s6 =	sadd.s32 @!p0 s3, s7;
	s7 =	simm.s32 @!p0 $0x108  }
0x21: {  	s3 =	sadd.s32 s3, s9;
	s6 =	sadd.s32 @!p0 $0x88, s6;
	s7 =	simm.s32 @p2 $0x1082  }
0x22: {  	[simem:s7], [sflag:s8] =	dma.local @!p0 [hbm:s6], $0xF7A  }
0x23: {  	s9 =	sor.u32 $0xD0000000, s2;
	s6 =	simm.s32 $0x108;
	_ =	swait.ge @!p0 [sflag:s8], $0x0  }
0x24: {  	s3 =	sadd.s32 $0x88, s3;
	s6 =	simm.s32 @!p1 $0x1082;
	[sflag:s4] =	ssyncset.s32 $0xFFFFF086  }
0x25: {  	[simem:s6], [sflag:s4] =	dma.local [hbm:s3], $0xF7A  }
0x26: {  	[smem:$0x3F9F] =	sst s1;
	(tag) =	ssettag s2;
	_ =	strace s9  }
0x27: {  	s1 =	sld [smem:$0x3FAF]  }
0x28: {  	s2 =	sld [smem:$0x3FB0]  }
0x29: {  	s4 =	sld [smem:$0x3FB2]  }
0x2a: {  	p0 =	seq.s32 s5, $0x0;
	s5 =	sld [smem:$0x3FB3]  }
0x2b: {  	s6 =	sld [smem:$0x3FB4]  }
0x2c: {  	s7 =	sld [smem:$0x3FB5]  }
0x2d: {  	s3 =	simm.s32 $0x108;
	s8 =	sld [smem:$0x3FB6]  }
0x2e: {  	s3 =	simm.s32 @!p0 $0x1082;
	s9 =	sld [smem:$0x3FB7]  }
0x2f: {  	lr =	sadd.s32 s0, s3;
	s0 =	sld [smem:$0x3FAE]  }
0x30: {  	s3 =	sld [smem:$0x3FB1]  }
0x31: {  	[smem:$0x3FBA] =	sst s10  }
0x32: {  	s10 =	sld [smem:$0x3FB8];
	_ =	sdelay $0x3  }
0x33: {  	p0 =	seq.s32 s10, $0x1;
	s10 =	sld [smem:$0x3FBA];
	_ =	sdelay $0x3  }
0x34: {  	[smem:$0x3FBA] =	sst s10  }
0x35: {  	s10 =	sld [smem:$0x3FB9];
	_ =	sdelay $0x3  }
0x36: {  	p1 =	seq.s32 s10, $0x1;
	s10 =	sld [smem:$0x3FBA];
	_ =	sdelay $0x3  }
0x37: {  	[smem:$0x3FBA] =	sst s10  }
0x38: {  	s10 =	sld [smem:$0x3FBB]  }
0x39: {  	_ = 	snop;
	(pc) =	sbr.ind lr, $3  }
0x3a: {  	_ = 	snop  }
0x3b: {  	_ = 	snop  }
0x3c: {  	p2 =	seq.s32 s10, $0x1;
	s10 =	sld [smem:$0x3FBA]  }
0x3d: {  	_ =	shalt  }
0x3e: {  	_ =	shalt  }
0x3f: {  	_ =	shalt  }
0x40: {  	_ =	shalt  }
0x41: {  	_ =	shalt  }
0x42: {  	_ =	shalt  }
0x43: {  	_ =	shalt  }
0x44: {  	_ =	shalt  }
0x45: {  	_ =	shalt  }
0x46: {  	_ =	shalt  }
0x47: {  	_ =	shalt  }
0x48: {  	_ =	shalt  }
0x49: {  	_ =	shalt  }
0x4a: {  	_ =	shalt  }
0x4b: {  	_ =	shalt  }
0x4c: {  	_ =	shalt  }
0x4d: {  	_ =	shalt  }
0x4e: {  	_ =	shalt  }
0x4f: {  	_ =	shalt  }
0x50: {  	_ =	shalt  }
0x51: {  	_ =	shalt  }
0x52: {  	_ =	shalt  }
0x53: {  	_ =	shalt  }
0x54: {  	_ =	shalt  }
0x55: {  	_ =	shalt  }
0x56: {  	_ =	shalt  }
0x57: {  	_ =	shalt  }
0x58: {  	_ =	shalt  }
0x59: {  	_ =	shalt  }
0x5a: {  	_ =	shalt  }
0x5b: {  	_ =	shalt  }
0x5c: {  	_ =	shalt  }
0x5d: {  	_ =	shalt  }
0x5e: {  	_ =	shalt  }
0x5f: {  	_ =	shalt  }
0x60: {  	_ =	shalt  }
0x61: {  	_ =	shalt  }
0x62: {  	_ =	shalt  }
0x63: {  	_ =	shalt  }
0x64: {  	_ =	shalt  }
0x65: {  	_ =	shalt  }
0x66: {  	_ =	shalt  }
0x67: {  	_ =	shalt  }
0x68: {  	_ =	shalt  }
0x69: {  	_ =	shalt  }
0x6a: {  	_ =	shalt  }
0x6b: {  	_ =	shalt  }
0x6c: {  	_ =	shalt  }
0x6d: {  	_ =	shalt  }
0x6e: {  	_ =	shalt  }
0x6f: {  	_ =	shalt  }
0x70: {  	_ =	shalt  }
0x71: {  	_ =	shalt  }
0x72: {  	_ =	shalt  }
0x73: {  	_ =	shalt  }
0x74: {  	_ =	shalt  }
0x75: {  	_ =	shalt  }
0x76: {  	_ =	shalt  }
0x77: {  	_ =	shalt  }
0x78: {  	_ =	shalt  }
0x79: {  	_ =	shalt  }
0x7a: {  	_ =	shalt  }
0x7b: {  	_ =	shalt  }
0x7c: {  	_ =	shalt  }
0x7d: {  	_ =	shalt  }
0x7e: {  	_ =	shalt  }
0x7f: {  	_ =	shalt  }
0x80: {  	_ =	shalt  }
0x81: {  	_ =	shalt  }
0x82: {  	_ =	shalt  }
0x83: {  	_ =	shalt  }
0x84: {  	_ =	shalt  }
0x85: {  	_ =	shalt  }
0x86: {  	_ =	shalt  }
0x87: {  	_ =	shalt  }
.Lfunc_end0:
.L_simem_size_0:
called_computation_lowered:
.L_overlay_start_0:
0x88: {  	s2 =	sld [smem:$0x3FD9]  }
0x89: {  	s3 =	sld [smem:$0x3FFE];
	_ =	sdelay $0x1  }
0x8a: {  	s1 =	srdreg.scid  }
0x8b: {  	s0 =	sand.u32 $0x1, s1  }
0x8c: {  	s18 =	sshll.u32 s0, $0xA;
	s2 =	sadd.s32 s3, s2  }
0x8d: {  	s2 =	sadd.s32 s2, s18  }
0x8e: {  	[smem:$0x3FC6] =	sst s2  }
0x8f: {  	_ = 	snop  }
0x90: {  	s2 =	sld [smem:$0x3FC9]  }
0x91: {  	s19 =	sld [smem:$0x3FC8]  }
0x92: {  	s4 =	sld [smem:$0x3FD0];
	(tm) =	ssettm $0x1  }
0x93: {  	s5 =	sld [smem:$0x3FFB];
	_ =	sdelay $0x3  }
0x94: {  	_ =	strace s5  }
0x95: {  	s5 =	sld [smem:$0x3FFC];
	_ =	sdelay $0x3  }
0x96: {  	_ =	strace s5  }
0x97: {  	s5 =	sld [smem:$0x3FFD];
	_ =	sdelay $0x3  }
0x98: {  	_ =	strace s5  }
0x99: {  	_ =	strace $0x8FFFFFFF  }
0x9a: {  	s20 =	sld [smem:$0x3FDB];
	_ =	sdelay $0x1  }
0x9b: {  	s6 =	simm.s32 $_scs_section_size  }
0x9c: {  	s7 =	simm.s32 $_size__tile_overlayer_lowered;
	s8 =	simm.s32 $_tile_overlayer_lowered  }
0x9d: {  	s23 =	simm.s32 $0x1BFF;
	s22 =	sshll.u32 s8, $0x1;
	s5 =	sadd.s32 s6, s20  }
0x9e: {  	s9 =	simm.s32 $0x0;
	s21 =	sshll.u32 s7, $0x1;
	s7 =	sadd.s32 s22, s5  }
0x9f: {  	[timem:s9], [sflag:s23] =	dma.local [hbm:s7], s21  }
0xa0: {  	_ =	swait.ge [sflag:s23], s21  }
0xa1: {  	s6 =	ssub.s32 $0x0, s21;
	[sflag:s23] =	ssyncset.done $0x0  }
0xa2: {  	[sflag:s23] =	ssyncadd.s32 s6;
	_ =	sdelay $0x1  }
0xa3: {  	s24 =	simm.s32 $0x1B8B  }
0xa4: {  	_ =	swait.ge [sflag:s24], $0x1  }
0xa5: {  	[sflag:s24] =	ssyncset.done $0x0  }
0xa6: {  	s25 =	simm.s32 $0x1B8E;
	[sflag:s24] =	ssyncadd.s32 $0xFFFFFFFF  }
0xa7: {  	s26 =	simm.s32 $execute0_lowered;
	[smem:$0x3FD2] =	sst s25  }
0xa8: {  	s6 =	sshll.u32 s26, $0x1;
	_ =	strace $0x80000046;
	[dreg:$0x1] =	wrdreg $0xFFFFFFFF  }
0xa9: {  	s28 =	simm.s32 $_size_execute0_lowered;
	s5 =	sadd.s32 s5, s6;
	[dreg:$0x0] =	wrdreg $0x0  }
0xaa: {  	s6 =	sshll.u32 s28, $0x1;
	[dreg:$0x2] =	wrdreg s5  }
0xab: {  	[dreg:$0x3] =	wrdreg s6  }
0xac: {  	[dreg:$0x4] =	wrdreg $0xC0  }
0xad: {  	_ =	task [dreg:s9], $0x5FFFF  }
0xae: {  	[dreg:$0x1] =	wrdreg $0xFFFFFFFF  }
0xaf: {  	[dreg:$0x0] =	wrdreg $0x60  }
0xb0: {  	[dreg:$0x2] =	wrdreg s2  }
0xb1: {  	[dreg:$0x3] =	wrdreg s19  }
0xb2: {  	[dreg:$0x4] =	wrdreg s4  }
0xb3: {  	[dreg:$0x5] =	wrdreg $0x102000  }
0xb4: {  	[dreg:$0x6] =	wrdreg $0x9  }
0xb5: {  	_ =	task.clear_ibuf [dreg:s9], $0x7FFFF;
	_ =	strace $0x90000046  }
0xb6: {  	s29 =	simm.s32 $0x9;
	_ =	strace $0x80000048  }
0xb7: {  	_ =	swait.ge [sflag:s29], $0x1  }
0xb8: {  	[sflag:s29] =	ssyncadd.s32 $0xFFFFFFFF  }
0xb9: {  	_ =	strace $0x90000048  }
0xba: {  	_ =	sfence  }
0xbb: {  	s30 =	sld [smem:$0x0];
	_ =	sdelay $0x2  }
0xbc: {  	s31 =	sshll.u32 s1, $0xD;
	s1 =	sshrl.u32 s1, $0x2  }
0xbd: {  	s3 =	sand.u32 $0x4000, s31;
	s1 =	sadd.s32 s1, s30  }
0xbe: {  	s0 =	sor.u32 s3, s0;
	s1 =	sshll.u32 s1, $0x11  }
0xbf: {  	s0 =	sor.u32 s1, s0  }
0xc0: {  	s0 =	sadd.s32 $0x8F2B, s0  }
0xc1: {  	[sflag:s0] =	ssyncadd.remote.s32 $0x1  }
0xc2: {  	_ =	sfence.sel $0xFFFF  }
0xc3: {  	[dreg:$0x0] =	wrdreg $0xFFFFFFFF;
	(pc) =	sbr.abs _section_cstart, $3  }
0xc4: {  	[dreg:$0x1] =	wrdreg $0xFFFFFFFF  }
0xc5: {  	_ =	task.clear_ibuf [dreg:s9], $0x2FFFF;
	_ =	strace $0x9FFFFFFF  }
0xc6: {  	(tm) =	ssettm $0x7FFFFFFF  }
0xc7: {  	_ =	shalt  }
tec
execute0_lowered:
.L_overlay_start_1:
0x0: {  	(tag) =	ssettag $0x1  }
0x1: {  	s3 =	rddreg [dreg:$0x0]  }
0x2: {  	s0 =	rddreg [dreg:$0x1]  }
0x3: {  	s4 =	rddreg [dreg:$0x2]  }
0x4: {  	s14 =	srdreg.scid;
	s1 =	rddreg [dreg:$0x3]  }
0x5: {  	s5 =	stileid.u32;
	s2 =	simm.s32 $0x0;
	[dreg:$0x5] =	wrdreg s0  }
0x6: {  	s21 =	simm.s32 $0x30;
	s22 =	simm.s32 $0x20;
	[smem:$0x7FF] =	sst s2  }
0x7: {  	s23 =	simm.s32 $0x60;
	_ =	strace $0x80000047;
	[dreg:$0xf] =	wrdreg s21  }
0x8: {  	s24 =	simm.s32 $0x50;
	s31 =	sand.u32 $0x1, s14;
	[dreg:$0x10] =	wrdreg s22  }
0x9: {  	s6 =	sshll.u32 s5, $0xA;
	s7 =	sshll.u32 s31, $0x9;
	[dreg:$0x11] =	wrdreg s23  }
0xa: {  	s25 =	simm.s32 $0xB0;
	[dreg:$0x12] =	wrdreg s24;
	s6 =	sor.u32 s7, s6  }
0xb: {  	[dreg:$0x13] =	wrdreg s25;
	s7 =	sshrl.u32 s6, $0x3;
	s6 =	sshll.u32 s6, $0x4  }
0xc: {  	s8 =	rddreg [dreg:$0x5];
	s7 =	sadd.s32 s3, s7;
	s3 =	sadd.s32 s4, s6  }
0xd: {  	[dreg:$0x6] =	wrdreg s7;
	s4 =	sadd.s32 $0x80, s3  }
0xe: {  	s15 =	sadd.s32 $0x200, s3;
	[dreg:$0x7] =	wrdreg s4  }
0xf: {  	s16 =	sadd.s32 $0x500, s3;
	[dreg:$0x8] =	wrdreg s15  }
0x10: {  	s17 =	sadd.s32 $0xB00, s3;
	[dreg:$0x9] =	wrdreg s16  }
0x11: {  	s18 =	sadd.s32 $0x1300, s3;
	[dreg:$0xa] =	wrdreg s17  }
0x12: {  	s19 =	sadd.s32 $0x1B00, s3;
	[dreg:$0xb] =	wrdreg s18  }
0x13: {  	s20 =	sadd.s32 $0x1E80, s3;
	[dreg:$0xc] =	wrdreg s19  }
0x14: {  	p0 =	sne.s32 s5, $0x0;
	[dreg:$0xd] =	wrdreg s20  }
0x15: {  	s4 =	sshrl.u32 @!p0 s1, $0x3;
	s7 =	rddreg [dreg:$0x6]  }
0x16: {  	[dreg:$0xe] =	wrdreg s4  }
0x17: {  	[tilespmem:s2], [sflag:$0xA] =	stream.linear.gather [hbm4b:s7+s2], $0x200, $0x38;
	[tilespmem:$0x12140] =	vst v63  }
0x18: {  	s0 =	simm.s32 @!p0 $0x1C0B;
	s5 =	simm.s32 @!p0 $0xB;
	s6 =	rddreg [dreg:$0xe]  }
0x19: {  	[spmem:s6], [sflag:s0] =	dma.local @!p0 [hbm:s8], $0x3E80  }
0x1a: {  	_ =	swait.ge @!p0 [sflag:s5], $0x3E80  }
0x1b: {  	[sflag:s5] =	ssyncset.done @!p0 $0x0  }
0x1c: {  	s6 =	simm.s32 $0xA;
	[sflag:s5] =	ssyncadd.s32 @!p0 $0xFFFFC180  }
0x1d: {  	_ =	swait.ge [sflag:s6], $0x200  }
0x1e: {  	[sflag:s6] =	ssyncset.done $0x0  }
0x1f: {  	[sflag:s6] =	ssyncadd.s32 $0xFFFFFE00  }
0x20: {  	[bflag:$0x0] =	sbarrier.arrive $0xFFFF  }
0x21: {  	s7 =	simm.s32 $0x8;
	s8 =	simm.s32 $0x200;
	s13 =	rddreg [dreg:$0x12]  }
0x22: {  	[tilespmem:s8], [sflag:$0x1] =	stream.indirect.gather [spmem:s1], $0x80, s2, s7, $0xb8;
	[tilespmem:$0x12140] =	vst v63  }
0x23: {  	s9 =	simm.s32 $0x18;
	s10 =	simm.s32 $0x600;
	s12 =	rddreg [dreg:$0xf]  }
0x24: {  	[tilespmem:s10], [sflag:$0x2] =	stream.indirect.gather [spmem:s1], $0x80, s7, s9, $0xb8;
	[tilespmem:$0x12140] =	vst v63  }
0x25: {  	s11 =	simm.s32 $0x1200;
	s14 =	rddreg [dreg:$0x10]  }
0x26: {  	[tilespmem:s11], [sflag:$0x3] =	stream.indirect.gather [spmem:s1], $0x80, s14, s12, $0xb8;
	[tilespmem:$0x12140] =	vst v63  }
0x27: {  	s15 =	rddreg [dreg:$0x11];
	s12 =	simm.s32 $0x2A00  }
0x28: {  	[tilespmem:s12], [sflag:$0x4] =	stream.indirect.gather [spmem:s1], $0x80, s13, s15, $0xb8;
	[tilespmem:$0x12140] =	vst v63  }
0x29: {  	s16 =	rddreg [dreg:$0x13];
	s14 =	simm.s32 $0x5A00;
	s13 =	simm.s32 $0x80  }
0x2a: {  	[tilespmem:s14], [sflag:$0x5] =	stream.indirect.gather [spmem:s1], $0x80, s16, s13, $0xb8;
	[tilespmem:$0x12140] =	vst v63  }
0x2b: {  	s26 =	simm.s32 $0x130;
	s16 =	simm.s32 $0x9A00  }
0x2c: {  	[tilespmem:s16], [sflag:$0x6] =	stream.indirect.gather [spmem:s1], $0x80, s26, s13, $0xb8;
	[tilespmem:$0x12140] =	vst v63  }
0x2d: {  	s19 =	simm.s32 $0xDA00;
	s4 =	simm.s32 $0x38;
	s15 =	simm.s32 $0x1B0  }
0x2e: {  	[tilespmem:s19], [sflag:$0x7] =	stream.indirect.gather [spmem:s1], $0x80, s15, s4, $0xb8;
	[tilespmem:$0x12140] =	vst v63  }
0x2f: {  	s21 =	simm.s32 $0xF600;
	s22 =	simm.s32 $0x1;
	s20 =	simm.s32 $0x1E8  }
0x30: {  	[tilespmem:s21], [sflag:$0x8] =	stream.indirect.gather [spmem:s1], $0x80, s20, s9, $0xb8;
	[tilespmem:$0x12140] =	vst v63  }
0x31: {  	_ =	swait.ge [sflag:s22], $0x400  }
0x32: {  	[sflag:s22] =	ssyncset.done $0x0  }
0x33: {  	s23 =	simm.s32 $0x2;
	[sflag:s22] =	ssyncadd.s32 $0xFFFFFC00  }
0x34: {  	[hbm4b:s3+s2] =	stream.linear.scatter [tilespmem:s8], [sflag:$0x9], $0x400, $0x38;
	[tilespmem:$0x12140] =	vst v63  }
0x35: {  	_ =	swait.ge [sflag:s23], $0xC00  }
0x36: {  	[sflag:s23] =	ssyncset.done $0x0  }
0x37: {  	s24 =	rddreg [dreg:$0x7];
	[sflag:s23] =	ssyncadd.s32 $0xFFFFF400  }
0x38: {  	[hbm4b:s24+s2] =	stream.linear.scatter [tilespmem:s10], [sflag:$0x9], $0xC00, $0x38;
	[tilespmem:$0x12140] =	vst v63  }
0x39: {  	s24 =	simm.s32 $0x3  }
0x3a: {  	_ =	swait.ge [sflag:s24], $0x1800  }
0x3b: {  	[sflag:s24] =	ssyncset.done $0x0  }
0x3c: {  	s25 =	rddreg [dreg:$0x8];
	[sflag:s24] =	ssyncadd.s32 $0xFFFFE800  }
0x3d: {  	[hbm4b:s25+s2] =	stream.linear.scatter [tilespmem:s11], [sflag:$0x9], $0x1800, $0x38;
	[tilespmem:$0x12140] =	vst v63  }
0x3e: {  	s25 =	simm.s32 $0x4  }
0x3f: {  	_ =	swait.ge [sflag:s25], $0x3000  }
0x40: {  	[sflag:s25] =	ssyncset.done $0x0  }
0x41: {  	s26 =	rddreg [dreg:$0x9];
	[sflag:s25] =	ssyncadd.s32 $0xFFFFD000  }
0x42: {  	[hbm4b:s26+s2] =	stream.linear.scatter [tilespmem:s12], [sflag:$0x9], $0x3000, $0x38;
	[tilespmem:$0x12140] =	vst v63  }
0x43: {  	s26 =	simm.s32 $0x5  }
0x44: {  	_ =	swait.ge [sflag:s26], $0x4000  }
0x45: {  	[sflag:s26] =	ssyncset.done $0x0  }
0x46: {  	s28 =	rddreg [dreg:$0xa];
	[sflag:s26] =	ssyncadd.s32 $0xFFFFC000  }
0x47: {  	[hbm4b:s28+s2] =	stream.linear.scatter [tilespmem:s14], [sflag:$0x9], $0x4000, $0x38;
	[tilespmem:$0x12140] =	vst v63  }
0x48: {  	s28 =	simm.s32 $0x6  }
0x49: {  	_ =	swait.ge [sflag:s28], $0x4000  }
0x4a: {  	[sflag:s28] =	ssyncset.done $0x0  }
0x4b: {  	s29 =	rddreg [dreg:$0xb];
	[sflag:s28] =	ssyncadd.s32 $0xFFFFC000  }
0x4c: {  	[hbm4b:s29+s2] =	stream.linear.scatter [tilespmem:s16], [sflag:$0x9], $0x4000, $0x38;
	[tilespmem:$0x12140] =	vst v63  }
0x4d: {  	s29 =	simm.s32 $0x7  }
0x4e: {  	_ =	swait.ge [sflag:s29], $0x1C00  }
0x4f: {  	[sflag:s29] =	ssyncset.done $0x0  }
0x50: {  	s30 =	rddreg [dreg:$0xc];
	[sflag:s29] =	ssyncadd.s32 $0xFFFFE400  }
0x51: {  	[hbm4b:s30+s2] =	stream.linear.scatter [tilespmem:s19], [sflag:$0x9], $0x1C00, $0x38;
	[tilespmem:$0x12140] =	vst v63  }
0x52: {  	_ =	swait.ge [sflag:s7], $0xC00  }
0x53: {  	[sflag:s7] =	ssyncset.done $0x0  }
0x54: {  	s30 =	rddreg [dreg:$0xd];
	[sflag:s7] =	ssyncadd.s32 $0xFFFFF400  }
0x55: {  	[hbm4b:s30+s2] =	stream.linear.scatter [tilespmem:s21], [sflag:$0x9], $0xC00, $0x38;
	[tilespmem:$0x12140] =	vst v63  }
0x56: {  	s30 =	simm.s32 $0x9  }
0x57: {  	_ =	swait.ge [sflag:s30], $0x400  }
0x58: {  	[sflag:s30] =	ssyncset.done $0x0  }
0x59: {  	[sflag:s30] =	ssyncadd.s32 $0xFFFFFC00  }
0x5a: {  	_ =	swait.ge [sflag:s30], $0xC00  }
0x5b: {  	[sflag:s30] =	ssyncset.done $0x0  }
0x5c: {  	[sflag:s30] =	ssyncadd.s32 $0xFFFFF400  }
0x5d: {  	_ =	swait.ge [sflag:s30], $0x1800  }
0x5e: {  	[sflag:s30] =	ssyncset.done $0x0  }
0x5f: {  	[sflag:s30] =	ssyncadd.s32 $0xFFFFE800  }
0x60: {  	_ =	swait.ge [sflag:s30], $0x3000  }
0x61: {  	s31 =	ssub.s32 $0x2, s31;
	[sflag:s30] =	ssyncset.done $0x0  }
0x62: {  	s17 =	sshrl.u32 s31, $0x1;
	[sflag:s30] =	ssyncadd.s32 $0xFFFFD000  }
0x63: {  	s0 =	ssub.s32 s31, s17;
	_ =	swait.ge [sflag:s30], $0x4000  }
0x64: {  	s0 =	smax.u32 s0, $0x1;
	[sflag:s30] =	ssyncset.done $0x0  }
0x65: {  	s31 =	sadd.s32 $0xFFFFFFFF, s0;
	[sflag:s30] =	ssyncadd.s32 $0xFFFFC000  }
0x66: {  	p1 =	sne.s32 s31, $0x0;
	_ =	swait.ge [sflag:s30], $0x4000  }
.Ltmp0:
0x67: {  	[sflag:s30] =	ssyncset.done $0x0;
	(pc) =	sbr.rel @!p1 .LBB2_2-.Ltmp0, $4  }
0x68: {  	[sflag:s30] =	ssyncadd.s32 $0xFFFFC000  }
0x69: {  	_ =	swait.ge [sflag:s30], $0x1C00  }
0x6a: {  	[sflag:s30] =	ssyncset.done $0x0  }
0x6b: {  	s18 =	simm.s32 $0x1B0;
	[sflag:s30] =	ssyncadd.s32 $0xFFFFE400  }
.LBB2_1:
0x6c: {  	_ =	swait.ge [sflag:s30], $0xC00  }
0x6d: {  	s0 =	rddreg [dreg:$0xe];
	[sflag:s30] =	ssyncset.done $0x0  }
0x6e: {  	s4 =	rddreg [dreg:$0x6];
	[sflag:s30] =	ssyncadd.s32 $0xFFFFF400  }
0x6f: {  	[tilespmem:s2], [sflag:$0xA] =	stream.linear.gather [hbm4b:s4+s2], $0x200, $0x38;
	[tilespmem:$0x12140] =	vst v63  }
0x70: {  	s15 =	rddreg [dreg:$0x5];
	s4 =	simm.s32 @!p0 $0x1C0B  }
0x71: {  	[spmem:s0], [sflag:s4] =	dma.local @!p0 [hbm:s15], $0x3E80  }
0x72: {  	_ =	swait.ge @!p0 [sflag:s5], $0x3E80  }
0x73: {  	[sflag:s5] =	ssyncset.done @!p0 $0x0  }
0x74: {  	[sflag:s5] =	ssyncadd.s32 @!p0 $0xFFFFC180  }
0x75: {  	_ =	swait.ge [sflag:s6], $0x200  }
0x76: {  	[sflag:s6] =	ssyncset.done $0x0  }
0x77: {  	[sflag:s6] =	ssyncadd.s32 $0xFFFFFE00  }
0x78: {  	[bflag:$0x0] =	sbarrier.arrive $0xFFFF  }
0x79: {  	s0 =	rddreg [dreg:$0x12]  }
0x7a: {  	[tilespmem:s8], [sflag:$0x1] =	stream.indirect.gather [spmem:s1], $0x80, s2, s7, $0xb8;
	[tilespmem:$0x12140] =	vst v63  }
0x7b: {  	s4 =	rddreg [dreg:$0xf]  }
0x7c: {  	[tilespmem:s10], [sflag:$0x2] =	stream.indirect.gather [spmem:s1], $0x80, s7, s9, $0xb8;
	[tilespmem:$0x12140] =	vst v63  }
0x7d: {  	s15 =	rddreg [dreg:$0x10]  }
0x7e: {  	[tilespmem:s11], [sflag:$0x3] =	stream.indirect.gather [spmem:s1], $0x80, s15, s4, $0xb8;
	[tilespmem:$0x12140] =	vst v63  }
0x7f: {  	s17 =	rddreg [dreg:$0x11]  }
0x80: {  	[tilespmem:s12], [sflag:$0x4] =	stream.indirect.gather [spmem:s1], $0x80, s0, s17, $0xb8;
	[tilespmem:$0x12140] =	vst v63  }
0x81: {  	s15 =	rddreg [dreg:$0x13]  }
0x82: {  	[tilespmem:s14], [sflag:$0x5] =	stream.indirect.gather [spmem:s1], $0x80, s15, s13, $0xb8;
	[tilespmem:$0x12140] =	vst v63  }
0x83: {  	s4 =	simm.s32 $0x130  }
0x84: {  	[tilespmem:s16], [sflag:$0x6] =	stream.indirect.gather [spmem:s1], $0x80, s4, s13, $0xb8;
	[tilespmem:$0x12140] =	vst v63  }
0x85: {  	s15 =	simm.s32 $0x38  }
0x86: {  	[tilespmem:s19], [sflag:$0x7] =	stream.indirect.gather [spmem:s1], $0x80, s18, s15, $0xb8;
	[tilespmem:$0x12140] =	vst v63  }
0x87: {  	_ = 	snop  }
0x88: {  	[tilespmem:s21], [sflag:$0x8] =	stream.indirect.gather [spmem:s1], $0x80, s20, s9, $0xb8;
	[tilespmem:$0x12140] =	vst v63  }
0x89: {  	_ =	swait.ge [sflag:s22], $0x400  }
0x8a: {  	[sflag:s22] =	ssyncset.done $0x0  }
0x8b: {  	[sflag:s22] =	ssyncadd.s32 $0xFFFFFC00  }
0x8c: {  	[hbm4b:s3+s2] =	stream.linear.scatter [tilespmem:s8], [sflag:$0x9], $0x400, $0x38;
	[tilespmem:$0x12140] =	vst v63  }
0x8d: {  	_ =	swait.ge [sflag:s23], $0xC00  }
0x8e: {  	[sflag:s23] =	ssyncset.done $0x0  }
0x8f: {  	s17 =	rddreg [dreg:$0x7];
	[sflag:s23] =	ssyncadd.s32 $0xFFFFF400  }
0x90: {  	[hbm4b:s17+s2] =	stream.linear.scatter [tilespmem:s10], [sflag:$0x9], $0xC00, $0x38;
	[tilespmem:$0x12140] =	vst v63  }
0x91: {  	_ =	swait.ge [sflag:s24], $0x1800  }
0x92: {  	[sflag:s24] =	ssyncset.done $0x0  }
0x93: {  	s4 =	rddreg [dreg:$0x8];
	[sflag:s24] =	ssyncadd.s32 $0xFFFFE800  }
0x94: {  	[hbm4b:s4+s2] =	stream.linear.scatter [tilespmem:s11], [sflag:$0x9], $0x1800, $0x38;
	[tilespmem:$0x12140] =	vst v63  }
0x95: {  	_ =	swait.ge [sflag:s25], $0x3000  }
0x96: {  	[sflag:s25] =	ssyncset.done $0x0  }
0x97: {  	s15 =	rddreg [dreg:$0x9];
	[sflag:s25] =	ssyncadd.s32 $0xFFFFD000  }
0x98: {  	[hbm4b:s15+s2] =	stream.linear.scatter [tilespmem:s12], [sflag:$0x9], $0x3000, $0x38;
	[tilespmem:$0x12140] =	vst v63  }
0x99: {  	_ =	swait.ge [sflag:s26], $0x4000  }
0x9a: {  	[sflag:s26] =	ssyncset.done $0x0  }
0x9b: {  	s17 =	rddreg [dreg:$0xa];
	[sflag:s26] =	ssyncadd.s32 $0xFFFFC000  }
0x9c: {  	[hbm4b:s17+s2] =	stream.linear.scatter [tilespmem:s14], [sflag:$0x9], $0x4000, $0x38;
	[tilespmem:$0x12140] =	vst v63  }
0x9d: {  	_ =	swait.ge [sflag:s28], $0x4000  }
0x9e: {  	[sflag:s28] =	ssyncset.done $0x0  }
0x9f: {  	s4 =	rddreg [dreg:$0xb];
	[sflag:s28] =	ssyncadd.s32 $0xFFFFC000  }
0xa0: {  	[hbm4b:s4+s2] =	stream.linear.scatter [tilespmem:s16], [sflag:$0x9], $0x4000, $0x38;
	[tilespmem:$0x12140] =	vst v63  }
0xa1: {  	_ =	swait.ge [sflag:s29], $0x1C00  }
0xa2: {  	[sflag:s29] =	ssyncset.done $0x0  }
0xa3: {  	s15 =	rddreg [dreg:$0xc];
	[sflag:s29] =	ssyncadd.s32 $0xFFFFE400  }
0xa4: {  	[hbm4b:s15+s2] =	stream.linear.scatter [tilespmem:s19], [sflag:$0x9], $0x1C00, $0x38;
	[tilespmem:$0x12140] =	vst v63  }
0xa5: {  	_ =	swait.ge [sflag:s7], $0xC00  }
0xa6: {  	[sflag:s7] =	ssyncset.done $0x0  }
0xa7: {  	s17 =	rddreg [dreg:$0xd];
	[sflag:s7] =	ssyncadd.s32 $0xFFFFF400  }
0xa8: {  	[hbm4b:s17+s2] =	stream.linear.scatter [tilespmem:s21], [sflag:$0x9], $0xC00, $0x38;
	[tilespmem:$0x12140] =	vst v63  }
0xa9: {  	_ =	swait.ge [sflag:s30], $0x400  }
0xaa: {  	[sflag:s30] =	ssyncset.done $0x0  }
0xab: {  	[sflag:s30] =	ssyncadd.s32 $0xFFFFFC00  }
0xac: {  	_ =	swait.ge [sflag:s30], $0xC00  }
0xad: {  	[sflag:s30] =	ssyncset.done $0x0  }
0xae: {  	[sflag:s30] =	ssyncadd.s32 $0xFFFFF400  }
0xaf: {  	_ =	swait.ge [sflag:s30], $0x1800  }
0xb0: {  	[sflag:s30] =	ssyncset.done $0x0  }
0xb1: {  	[sflag:s30] =	ssyncadd.s32 $0xFFFFE800  }
0xb2: {  	_ =	swait.ge [sflag:s30], $0x3000  }
0xb3: {  	[sflag:s30] =	ssyncset.done $0x0  }
0xb4: {  	[sflag:s30] =	ssyncadd.s32 $0xFFFFD000  }
0xb5: {  	_ =	swait.ge [sflag:s30], $0x4000  }
0xb6: {  	[sflag:s30] =	ssyncset.done $0x0  }
0xb7: {  	s31 =	sadd.s32 $0xFFFFFFFF, s31;
	[sflag:s30] =	ssyncadd.s32 $0xFFFFC000  }
0xb8: {  	p1 =	sne.s32 s31, $0x0;
	_ =	swait.ge [sflag:s30], $0x4000  }
.Ltmp1:
0xb9: {  	[sflag:s30] =	ssyncset.done $0x0;
	(pc) =	sbr.rel @p1 .LBB2_1-.Ltmp1, $4  }
0xba: {  	[sflag:s30] =	ssyncadd.s32 $0xFFFFC000  }
0xbb: {  	_ =	swait.ge [sflag:s30], $0x1C00  }
0xbc: {  	[sflag:s30] =	ssyncset.done $0x0  }
0xbd: {  	[sflag:s30] =	ssyncadd.s32 $0xFFFFE400  }
.LBB2_2:
0xbe: {  	_ =	swait.ge [sflag:s30], $0xC00  }
0xbf: {  	[sflag:s30] =	ssyncset.done $0x0  }
0xc0: {  	[sflag:s30] =	ssyncadd.s32 $0xFFFFF400  }
0xc1: {  	_ =	sfence.sel $0x180000  }
0xc2: {  	[bflag:$0x0] =	sbarrier.arrive $0xFFFF  }
0xc3: {  	_ =	strace $0x90000047  }
0xc4: {  	[bflag:$0x2] =	sbarrier.arrive $0xFFFF  }
0xc5: {  	s0 =	rddreg [dreg:$0x4]  }
0xc6: {  	s0 =	sadd.s32 @!p0 $0x100000, s0  }
0xc7: {  	[sflag:s0] =	ssyncadd.tile.s32 @!p0 $0x1;
	_ =	shalt  }
.Lfunc_end2:
_tile_overlayer_lowered:
.L_overlay_start_2:
0xc8: {  	(tag) =	ssettag $0x2  }
0xc9: {  	s0 =	rddreg [dreg:$0x0];
	s2 =	stileid.u32  }
0xca: {  	s1 =	rddreg [dreg:$0x1];
	p0 =	sne.s32 s2, $0x0  }
0xcb: {  	s3 =	rddreg [dreg:$0x2];
	[bflag:$0x3] =	sbarrier.arrive $0xFFFF;
	s2 =	simm.s32 @!p0 $0x1C0B  }
0xcc: {  	[timem:s3], [sflag:s2] =	dma.local @!p0 [hbm:s0], s1  }
0xcd: {  	s0 =	simm.s32 @!p0 $0xB  }
0xce: {  	_ =	swait.ge @!p0 [sflag:s0], s1  }
0xcf: {  	s1 =	ssub.s32 @!p0 $0x0, s1;
	[sflag:s0] =	ssyncset.done @!p0 $0x0  }
0xd0: {  	[sflag:s0] =	ssyncadd.s32 @!p0 s1  }
0xd1: {  	[bflag:$0x3] =	sbarrier.arrive $0xFFFF  }
0xd2: {  	_ =	shalt  }

</sc_bundles>
